<compile_context>
chip_gen: v7x
topology: tpu7x:2x2x1
jax: 0.10.2.dev20260603
libtpu: 0.0.44.dev20260713+nightly
codegen_flags: <defaults>
</compile_context>

<pallas_src>
import functools

import jax
import jax.numpy as jnp
from jax import lax
from jax.experimental import pallas as pl
from jax.experimental.pallas import tpu as pltpu
from jax.experimental.pallas import tpu_sc as plsc

N_NODES = 10000
N_EDGES = 320000
D = 128

NC = 2
NS = 16
NW = NC * NS
EPT = N_EDGES // NW
CH = 40
NCHUNK = EPT // CH
NBUF = 5
N_PAD = 10240
ROWS_PT = N_PAD // NS
LANES = 16


def _sc_segment_sum(feature, src2, dst2):
    mesh = plsc.VectorSubcoreMesh(core_axis_name="c", subcore_axis_name="s")

    @functools.partial(
        pl.kernel,
        mesh=mesh,
        out_type=jax.ShapeDtypeStruct((NC, N_PAD, D), jnp.float32),
        scratch_types=[
            pltpu.VMEM((EPT,), jnp.int32),
            pltpu.VMEM((EPT,), jnp.int32),
        ] + [pltpu.VMEM((CH, D), jnp.float32)] * NBUF
          + [pltpu.VMEM_SHARED((N_PAD, D), jnp.float32)]
          + [pltpu.SemaphoreType.DMA] * NBUF,
    )
    def k(feat_hbm, src_hbm, dst_hbm, out_hbm, sidx_v, didx_v, *rest):
        rbufs = rest[:NBUF]
        acc_sh = rest[NBUF]
        sems = rest[NBUF + 1:]
        rows0 = rbufs[0]
        cid = lax.axis_index("c")
        sid = lax.axis_index("s")
        wid = sid * NC + cid

        zero = jnp.zeros((LANES,), jnp.float32)

        def zbody(i, carry):
            r = i // (D // LANES)
            col = (i % (D // LANES)) * LANES
            rows0[r, pl.ds(col, LANES)] = zero
            return carry

        lax.fori_loop(0, CH * (D // LANES), zbody, 0)

        row0 = sid * ROWS_PT

        def zcopy(j, carry):
            pltpu.sync_copy(rows0, acc_sh.at[pl.ds(row0 + j * CH, CH)])
            return carry

        lax.fori_loop(0, ROWS_PT // CH, zcopy, 0)

        pltpu.sync_copy(src_hbm.at[wid], sidx_v)
        pltpu.sync_copy(dst_hbm.at[wid], didx_v)
        plsc.subcore_barrier()

        def gather(c, buf, sem):
            pltpu.async_copy(
                feat_hbm.at[sidx_v.at[pl.ds(c * CH, CH)]], buf, sem)

        def gwait(buf, sem):
            pltpu.make_async_copy(
                feat_hbm.at[sidx_v.at[pl.ds(0, CH)]], buf, sem).wait()

        def scat(c, buf):
            pltpu.sync_copy(
                buf, acc_sh.at[didx_v.at[pl.ds(c * CH, CH)]], add=True)

        bufs = tuple(zip(rbufs, sems))
        for t in range(NBUF - 1):
            gather(t, rbufs[t], sems[t])

        def ebody(i, carry):
            c = NBUF * i
            for t in range(NBUF):
                buf, sem = bufs[t]
                nbuf, nsem = bufs[(t + NBUF - 1) % NBUF]
                cn = jnp.where(c + t + NBUF - 1 < NCHUNK, c + t + NBUF - 1, 0)
                gwait(buf, sem)
                gather(cn, nbuf, nsem)
                scat(c + t, buf)
            return carry

        lax.fori_loop(0, NCHUNK // NBUF, ebody, 0)
        for t in range(NBUF - 1):
            gwait(rbufs[t], sems[t])
        plsc.subcore_barrier()

        for j in range(ROWS_PT // CH):
            buf, sem = bufs[j % NBUF]
            r = row0 + j * CH
            if j >= NBUF:
                pltpu.make_async_copy(buf, out_hbm.at[cid, pl.ds(r, CH)],
                                      sem).wait()
            pltpu.sync_copy(acc_sh.at[pl.ds(r, CH)], buf)
            pltpu.async_copy(buf, out_hbm.at[cid, pl.ds(r, CH)], sem)
        for buf, sem in bufs:
            pltpu.make_async_copy(buf, out_hbm.at[cid, pl.ds(row0, CH)],
                                  sem).wait()

    return k(feature, src2, dst2)


def _tc_linear(partials, wt, bias):
    RB = 2000

    def mm(p_ref, w_ref, b_ref, o_ref):
        acc = p_ref[0] + p_ref[1]
        o_ref[...] = (
            jnp.dot(acc, w_ref[...], preferred_element_type=jnp.float32)
            + b_ref[...]
        )

    return pl.pallas_call(
        mm,
        grid=(N_NODES // RB,),
        in_specs=[
            pl.BlockSpec((NC, RB, D), lambda i: (0, i, 0)),
            pl.BlockSpec((D, D), lambda i: (0, 0)),
            pl.BlockSpec((1, D), lambda i: (0, 0)),
        ],
        out_specs=pl.BlockSpec((RB, D), lambda i: (i, 0)),
        out_shape=jax.ShapeDtypeStruct((N_NODES, D), jnp.float32),
    )(partials, wt, bias.reshape(1, D))


def kernel(feature, edge_index, W, b):
    ei = edge_index.astype(jnp.int32)
    src2 = ei[0].reshape(NW, EPT)
    dst2 = ei[1].reshape(NW, EPT)
    partials = _sc_segment_sum(feature, src2, dst2)
    return _tc_linear(partials, W.T, b)

# --- scband reference (transcript-rebuilt; emitter-appended) ---
"""Pipeline reference for scband-mpnnlayer-75058848465161 (READ-ONLY COPY).

The authoritative reference and input builder live on the scoring server;
editing this copy changes nothing except your own understanding.
"""

import jax, jax.numpy as jnp
import numpy as np

N_NODES = 10000
N_EDGES = 320000
D_IN = 128
D_OUT = 128

def setup_inputs(seed: int = 0) -> dict:
    key = jax.random.key(seed)
    k1, k2, k3, k4 = jax.random.split(key, 4)
    feature = jax.random.normal(k1, (N_NODES, D_IN), dtype=jnp.float32)
    edge_index = jax.random.randint(k2, (2, N_EDGES), 0, N_NODES, dtype=jnp.int64)
    # nn.Linear(in_dim, out_dim): weight [out_dim, in_dim], bias [out_dim]
    bound = 1.0 / np.sqrt(D_IN)
    W = jax.random.uniform(k3, (D_OUT, D_IN), minval=-bound, maxval=bound, dtype=jnp.float32)
    b = jax.random.uniform(k4, (D_OUT,), minval=-bound, maxval=bound, dtype=jnp.float32)
    return {"feature": feature, "edge_index": edge_index, "W": W, "b": b}

def reference(feature, edge_index, W, b):
    # DGL copy_u('h','m') + sum('m','h_neigh'):
    # h_neigh[v] = sum over edges (u -> v) of feature[u]
    src = edge_index[0]
    dst = edge_index[1]
    messages = jnp.take(feature, src, axis=0)              # gather: copy_u
    h_neigh = jax.ops.segment_sum(messages, dst, num_segments=feature.shape[0])  # scatter-add reduce
    h = h_neigh @ W.T + b                                   # nn.Linear
    return h

if __name__ == "__main__":
    import jax
    _d = setup_inputs()
    print(jax.jit(kernel)(*tuple(_d.values())))

</pallas_src>

<mosaic_0001>
#map = affine_map<(d0, d1) -> (0, 0)>
#map1 = affine_map<(d0, d1) -> (0, 0, 0)>
module attributes {stable_mosaic.version = 14 : i64} {
  func.func @k(%arg0: i32, %arg1: i32, %arg2: memref<10000x128xf32, #tpu.memory_space<hbm>>, %arg3: memref<32x10000xi32, #tpu.memory_space<hbm>>, %arg4: memref<32x10000xi32, #tpu.memory_space<hbm>>, %arg5: memref<2x10240x128xf32, #tpu.memory_space<hbm>>, %arg6: memref<10000xi32, #tpu.memory_space<vmem>>, %arg7: memref<10000xi32, #tpu.memory_space<vmem>>, %arg8: memref<40x128xf32, #tpu.memory_space<vmem>>, %arg9: memref<40x128xf32, #tpu.memory_space<vmem>>, %arg10: memref<40x128xf32, #tpu.memory_space<vmem>>, %arg11: memref<40x128xf32, #tpu.memory_space<vmem>>, %arg12: memref<40x128xf32, #tpu.memory_space<vmem>>, %arg13: memref<10240x128xf32, #tpu.memory_space<vmem_shared>>, %arg14: memref<!tpu.dma_semaphore, #tpu.memory_space<semaphore_mem>>, %arg15: memref<!tpu.dma_semaphore, #tpu.memory_space<semaphore_mem>>, %arg16: memref<!tpu.dma_semaphore, #tpu.memory_space<semaphore_mem>>, %arg17: memref<!tpu.dma_semaphore, #tpu.memory_space<semaphore_mem>>, %arg18: memref<!tpu.dma_semaphore, #tpu.memory_space<semaphore_mem>>) attributes {dimension_semantics = [#tpu.dimension_semantics<core_parallel>, #tpu.dimension_semantics<subcore_parallel>], iteration_bounds = array<i64: 2, 16>, scalar_prefetch = 0 : i64, scratch_operands = 13 : i64, tpu.core_type = #tpu.core_type<sc_vector_subcore>, window_params = [{transform_indices = #map}, {transform_indices = #map}, {transform_indices = #map}, {transform_indices = #map1}]} {
    %mul3A = arith.constant 2 : i32
    %mul3A_0 = arith.muli %arg1, %mul3A : i32
    %add3A = arith.addi %mul3A_0, %arg0 : i32
    %broadcast_in_dim3A = arith.constant 0.000000e+00 : f32
    %broadcast_in_dim3A_1 = vector.broadcast %broadcast_in_dim3A : f32 to vector<16xf32>
    %scan3A = arith.constant 0 : i32
    %scan3A_2 = arith.constant 0 : i32
    %scan3A_3 = arith.constant 320 : i32
    %scan3A_4 = arith.addi %scan3A_2, %scan3A_3 : i32
    %scan3A_5 = arith.constant 1 : i32
    scf.for %scan3A_284 = %scan3A_2 to %scan3A_4 step %scan3A_5  : i32 {
      %jit3A = arith.constant 8 : i32
      %div3A = arith.divsi %scan3A_284, %jit3A : i32
      %sign3A = arith.constant 0 : i32
      %sign3A_285 = arith.cmpi sgt, %scan3A_284, %sign3A : i32
      %sign3A_286 = arith.extui %sign3A_285 : i1 to i32
      %sign3A_287 = arith.constant 0 : i32
      %sign3A_288 = arith.cmpi slt, %scan3A_284, %sign3A_287 : i32
      %sign3A_289 = arith.extui %sign3A_288 : i1 to i32
      %sign3A_290 = arith.subi %sign3A_286, %sign3A_289 : i32
      %sign3A_291 = arith.constant 0 : i32
      %sign3A_292 = arith.cmpi sgt, %jit3A, %sign3A_291 : i32
      %sign3A_293 = arith.extui %sign3A_292 : i1 to i32
      %sign3A_294 = arith.constant 0 : i32
      %sign3A_295 = arith.cmpi slt, %jit3A, %sign3A_294 : i32
      %sign3A_296 = arith.extui %sign3A_295 : i1 to i32
      %sign3A_297 = arith.subi %sign3A_293, %sign3A_296 : i32
      %ne3A = arith.cmpi ne, %sign3A_290, %sign3A_297 : i32
      %rem3A = arith.remsi %scan3A_284, %jit3A : i32
      %ne3A_298 = arith.constant 0 : i32
      %ne3A_299 = arith.cmpi ne, %rem3A, %ne3A_298 : i32
      %and3A = arith.andi %ne3A, %ne3A_299 : i1
      %sub3A = arith.constant 1 : i32
      %sub3A_300 = arith.subi %div3A, %sub3A : i32
      %select_n3A = arith.select %and3A, %sub3A_300, %div3A : i32
      %jit3A_301 = arith.constant 8 : i32
      %eq3A = arith.constant 0 : i32
      %eq3A_302 = arith.cmpi eq, %jit3A_301, %eq3A : i32
      %jit3A_303 = arith.constant 1 : i32
      %select_n3A_304 = arith.select %eq3A_302, %jit3A_303, %jit3A_301 : i32
      %rem3A_305 = arith.remsi %scan3A_284, %select_n3A_304 : i32
      %ne3A_306 = arith.constant 0 : i32
      %ne3A_307 = arith.cmpi ne, %rem3A_305, %ne3A_306 : i32
      %lt3A = arith.constant 0 : i32
      %lt3A_308 = arith.cmpi slt, %rem3A_305, %lt3A : i32
      %lt3A_309 = arith.constant 0 : i32
      %lt3A_310 = arith.cmpi slt, %select_n3A_304, %lt3A_309 : i32
      %ne3A_311 = arith.xori %lt3A_308, %lt3A_310 : i1
      %and3A_312 = arith.andi %ne3A_311, %ne3A_307 : i1
      %add3A_313 = arith.addi %rem3A_305, %select_n3A_304 : i32
      %select_n3A_314 = arith.select %and3A_312, %add3A_313, %rem3A_305 : i32
      %mul3A_315 = arith.constant 16 : i32
      %mul3A_316 = arith.muli %select_n3A_314, %mul3A_315 : i32
      %swap3A = arith.index_cast %select_n3A : i32 to index
      %swap3A_317 = arith.index_cast %mul3A_316 : i32 to index
      %swap3A_318 = tpu.vector_load %arg8[%swap3A, %swap3A_317] {strides = array<i32>} : memref<40x128xf32, #tpu.memory_space<vmem>>, vector<1x16xf32>,
      %swap3A_319 = vector.shape_cast %swap3A_318 : vector<1x16xf32> to vector<16xf32>
      %swap3A_320 = vector.shape_cast %broadcast_in_dim3A_1 : vector<16xf32> to vector<1x16xf32>
      tpu.vector_store %arg8[%swap3A, %swap3A_317], %swap3A_320 {strides = array<i32>} : memref<40x128xf32, #tpu.memory_space<vmem>>, vector<1x16xf32>,
    }
    %scan3A_6 = arith.constant 320 : i32
    %mul3A_7 = arith.constant 640 : i32
    %mul3A_8 = arith.muli %arg1, %mul3A_7 : i32
    %scan3A_9 = arith.constant 0 : i32
    %scan3A_10 = arith.constant 0 : i32
    %scan3A_11 = arith.constant 16 : i32
    %scan3A_12 = arith.addi %scan3A_10, %scan3A_11 : i32
    %scan3A_13 = arith.constant 1 : i32
    scf.for %scan3A_284 = %scan3A_10 to %scan3A_12 step %scan3A_13  : i32 {
      %mul3A_285 = arith.constant 40 : i32
      %mul3A_286 = arith.muli %scan3A_284, %mul3A_285 : i32
      %add3A_287 = arith.addi %mul3A_8, %mul3A_286 : i32
      "tpu.region"() ({
        %run_scoped3A = tpu.sem_alloc : memref<!tpu.dma_semaphore, #tpu.memory_space<semaphore_mem>>
        %dma_start3A_288 = arith.constant 0 : i32
        %dma_start3A_289 = tpu.memref_slice %arg13[%add3A_287, %dma_start3A_288] : memref<10240x128xf32, #tpu.memory_space<vmem_shared>> -> memref<40x128xf32, #tpu.memory_space<vmem_shared>>
        %dma_start3A_290 = arith.constant 0 : i32
        %dma_start3A_291 = tpu.memref_slice %arg13[%add3A_287, %dma_start3A_290] : memref<10240x128xf32, #tpu.memory_space<vmem_shared>> -> memref<40x128xf32, #tpu.memory_space<vmem_shared>>
        tpu.enqueue_dma source(%arg8 : memref<40x128xf32, #tpu.memory_space<vmem>>) target(%dma_start3A_291 : memref<40x128xf32, #tpu.memory_space<vmem_shared>>) target_semaphore(%run_scoped3A : memref<!tpu.dma_semaphore, #tpu.memory_space<semaphore_mem>>)
        %dma_wait3A_292 = arith.constant 0 : i32
        %dma_wait3A_293 = tpu.memref_slice %arg13[%add3A_287, %dma_wait3A_292] : memref<10240x128xf32, #tpu.memory_space<vmem_shared>> -> memref<40x128xf32, #tpu.memory_space<vmem_shared>>
        %dma_wait3A_294 = arith.constant 0 : i32
        %dma_wait3A_295 = tpu.memref_slice %arg13[%add3A_287, %dma_wait3A_294] : memref<10240x128xf32, #tpu.memory_space<vmem_shared>> -> memref<40x128xf32, #tpu.memory_space<vmem_shared>>
        tpu.wait_dma2 semaphore(%run_scoped3A : memref<!tpu.dma_semaphore, #tpu.memory_space<semaphore_mem>>) src(%arg8 : memref<40x128xf32, #tpu.memory_space<vmem>>) dst(%dma_wait3A_295 : memref<40x128xf32, #tpu.memory_space<vmem_shared>>)
        tpu.yield
      }) : () -> ()
    }
    %scan3A_14 = arith.constant 16 : i32
    "tpu.region"() ({
      %run_scoped3A = tpu.sem_alloc : memref<!tpu.dma_semaphore, #tpu.memory_space<semaphore_mem>>
      %dma_start3A_284 = arith.constant 0 : i32
      %dma_start3A_285 = tpu.memref_slice %arg3[%add3A, %dma_start3A_284] : memref<32x10000xi32, #tpu.memory_space<hbm>> -> memref<1x10000xi32, #tpu.memory_space<hbm>>
      %dma_start3A_286 = tpu.memref_squeeze %dma_start3A_285 : memref<1x10000xi32, #tpu.memory_space<hbm>> -> memref<10000xi32, #tpu.memory_space<hbm>>
      %dma_start3A_287 = arith.constant 0 : i32
      %dma_start3A_288 = tpu.memref_slice %arg3[%add3A, %dma_start3A_287] : memref<32x10000xi32, #tpu.memory_space<hbm>> -> memref<1x10000xi32, #tpu.memory_space<hbm>>
      %dma_start3A_289 = tpu.memref_squeeze %dma_start3A_288 : memref<1x10000xi32, #tpu.memory_space<hbm>> -> memref<10000xi32, #tpu.memory_space<hbm>>
      tpu.enqueue_dma source(%dma_start3A_289 : memref<10000xi32, #tpu.memory_space<hbm>>) target(%arg6 : memref<10000xi32, #tpu.memory_space<vmem>>) target_semaphore(%run_scoped3A : memref<!tpu.dma_semaphore, #tpu.memory_space<semaphore_mem>>)
      %dma_wait3A_290 = arith.constant 0 : i32
      %dma_wait3A_291 = tpu.memref_slice %arg3[%add3A, %dma_wait3A_290] : memref<32x10000xi32, #tpu.memory_space<hbm>> -> memref<1x10000xi32, #tpu.memory_space<hbm>>
      %dma_wait3A_292 = tpu.memref_squeeze %dma_wait3A_291 : memref<1x10000xi32, #tpu.memory_space<hbm>> -> memref<10000xi32, #tpu.memory_space<hbm>>
      %dma_wait3A_293 = arith.constant 0 : i32
      %dma_wait3A_294 = tpu.memref_slice %arg3[%add3A, %dma_wait3A_293] : memref<32x10000xi32, #tpu.memory_space<hbm>> -> memref<1x10000xi32, #tpu.memory_space<hbm>>
      %dma_wait3A_295 = tpu.memref_squeeze %dma_wait3A_294 : memref<1x10000xi32, #tpu.memory_space<hbm>> -> memref<10000xi32, #tpu.memory_space<hbm>>
      tpu.wait_dma2 semaphore(%run_scoped3A : memref<!tpu.dma_semaphore, #tpu.memory_space<semaphore_mem>>) src(%dma_wait3A_295 : memref<10000xi32, #tpu.memory_space<hbm>>) dst(%arg6 : memref<10000xi32, #tpu.memory_space<vmem>>)
      tpu.yield
    }) : () -> ()
    "tpu.region"() ({
      %run_scoped3A = tpu.sem_alloc : memref<!tpu.dma_semaphore, #tpu.memory_space<semaphore_mem>>
      %dma_start3A_284 = arith.constant 0 : i32
      %dma_start3A_285 = tpu.memref_slice %arg4[%add3A, %dma_start3A_284] : memref<32x10000xi32, #tpu.memory_space<hbm>> -> memref<1x10000xi32, #tpu.memory_space<hbm>>
      %dma_start3A_286 = tpu.memref_squeeze %dma_start3A_285 : memref<1x10000xi32, #tpu.memory_space<hbm>> -> memref<10000xi32, #tpu.memory_space<hbm>>
      %dma_start3A_287 = arith.constant 0 : i32
      %dma_start3A_288 = tpu.memref_slice %arg4[%add3A, %dma_start3A_287] : memref<32x10000xi32, #tpu.memory_space<hbm>> -> memref<1x10000xi32, #tpu.memory_space<hbm>>
      %dma_start3A_289 = tpu.memref_squeeze %dma_start3A_288 : memref<1x10000xi32, #tpu.memory_space<hbm>> -> memref<10000xi32, #tpu.memory_space<hbm>>
      tpu.enqueue_dma source(%dma_start3A_289 : memref<10000xi32, #tpu.memory_space<hbm>>) target(%arg7 : memref<10000xi32, #tpu.memory_space<vmem>>) target_semaphore(%run_scoped3A : memref<!tpu.dma_semaphore, #tpu.memory_space<semaphore_mem>>)
      %dma_wait3A_290 = arith.constant 0 : i32
      %dma_wait3A_291 = tpu.memref_slice %arg4[%add3A, %dma_wait3A_290] : memref<32x10000xi32, #tpu.memory_space<hbm>> -> memref<1x10000xi32, #tpu.memory_space<hbm>>
      %dma_wait3A_292 = tpu.memref_squeeze %dma_wait3A_291 : memref<1x10000xi32, #tpu.memory_space<hbm>> -> memref<10000xi32, #tpu.memory_space<hbm>>
      %dma_wait3A_293 = arith.constant 0 : i32
      %dma_wait3A_294 = tpu.memref_slice %arg4[%add3A, %dma_wait3A_293] : memref<32x10000xi32, #tpu.memory_space<hbm>> -> memref<1x10000xi32, #tpu.memory_space<hbm>>
      %dma_wait3A_295 = tpu.memref_squeeze %dma_wait3A_294 : memref<1x10000xi32, #tpu.memory_space<hbm>> -> memref<10000xi32, #tpu.memory_space<hbm>>
      tpu.wait_dma2 semaphore(%run_scoped3A : memref<!tpu.dma_semaphore, #tpu.memory_space<semaphore_mem>>) src(%dma_wait3A_295 : memref<10000xi32, #tpu.memory_space<hbm>>) dst(%arg7 : memref<10000xi32, #tpu.memory_space<vmem>>)
      tpu.yield
    }) : () -> ()
    %barrier3A = arith.constant 0 : index
    tpu.barrier barrier_id(%barrier3A)
    %dma_start3A = arith.constant 0 : i32
    %dma_start3A_15 = tpu.memref_slice %arg6[%dma_start3A] : memref<10000xi32, #tpu.memory_space<vmem>> -> memref<40xi32, #tpu.memory_space<vmem>>
    %dma_start3A_16 = arith.constant 0 : i32
    %dma_start3A_17 = arith.constant 0 : i32
    %dma_start3A_18 = tpu.memref_slice %arg2[%dma_start3A_16, %dma_start3A_17] : memref<10000x128xf32, #tpu.memory_space<hbm>> -> memref<10000x128xf32, #tpu.memory_space<hbm>>
    tpu.enqueue_indirect_dma source(%dma_start3A_18 : memref<10000x128xf32, #tpu.memory_space<hbm>>) target(%arg8 : memref<40x128xf32, #tpu.memory_space<vmem>>) offsets(%dma_start3A_15 : memref<40xi32, #tpu.memory_space<vmem>>) semaphore(%arg14 : memref<!tpu.dma_semaphore, #tpu.memory_space<semaphore_mem>>)
    %dma_start3A_19 = arith.constant 40 : i32
    %dma_start3A_20 = tpu.memref_slice %arg6[%dma_start3A_19] : memref<10000xi32, #tpu.memory_space<vmem>> -> memref<40xi32, #tpu.memory_space<vmem>>
    %dma_start3A_21 = arith.constant 0 : i32
    %dma_start3A_22 = arith.constant 0 : i32
    %dma_start3A_23 = tpu.memref_slice %arg2[%dma_start3A_21, %dma_start3A_22] : memref<10000x128xf32, #tpu.memory_space<hbm>> -> memref<10000x128xf32, #tpu.memory_space<hbm>>
    tpu.enqueue_indirect_dma source(%dma_start3A_23 : memref<10000x128xf32, #tpu.memory_space<hbm>>) target(%arg9 : memref<40x128xf32, #tpu.memory_space<vmem>>) offsets(%dma_start3A_20 : memref<40xi32, #tpu.memory_space<vmem>>) semaphore(%arg15 : memref<!tpu.dma_semaphore, #tpu.memory_space<semaphore_mem>>)
    %dma_start3A_24 = arith.constant 80 : i32
    %dma_start3A_25 = tpu.memref_slice %arg6[%dma_start3A_24] : memref<10000xi32, #tpu.memory_space<vmem>> -> memref<40xi32, #tpu.memory_space<vmem>>
    %dma_start3A_26 = arith.constant 0 : i32
    %dma_start3A_27 = arith.constant 0 : i32
    %dma_start3A_28 = tpu.memref_slice %arg2[%dma_start3A_26, %dma_start3A_27] : memref<10000x128xf32, #tpu.memory_space<hbm>> -> memref<10000x128xf32, #tpu.memory_space<hbm>>
    tpu.enqueue_indirect_dma source(%dma_start3A_28 : memref<10000x128xf32, #tpu.memory_space<hbm>>) target(%arg10 : memref<40x128xf32, #tpu.memory_space<vmem>>) offsets(%dma_start3A_25 : memref<40xi32, #tpu.memory_space<vmem>>) semaphore(%arg16 : memref<!tpu.dma_semaphore, #tpu.memory_space<semaphore_mem>>)
    %dma_start3A_29 = arith.constant 120 : i32
    %dma_start3A_30 = tpu.memref_slice %arg6[%dma_start3A_29] : memref<10000xi32, #tpu.memory_space<vmem>> -> memref<40xi32, #tpu.memory_space<vmem>>
    %dma_start3A_31 = arith.constant 0 : i32
    %dma_start3A_32 = arith.constant 0 : i32
    %dma_start3A_33 = tpu.memref_slice %arg2[%dma_start3A_31, %dma_start3A_32] : memref<10000x128xf32, #tpu.memory_space<hbm>> -> memref<10000x128xf32, #tpu.memory_space<hbm>>
    tpu.enqueue_indirect_dma source(%dma_start3A_33 : memref<10000x128xf32, #tpu.memory_space<hbm>>) target(%arg11 : memref<40x128xf32, #tpu.memory_space<vmem>>) offsets(%dma_start3A_30 : memref<40xi32, #tpu.memory_space<vmem>>) semaphore(%arg17 : memref<!tpu.dma_semaphore, #tpu.memory_space<semaphore_mem>>)
    %scan3A_34 = arith.constant 0 : i32
    %scan3A_35 = arith.constant 0 : i32
    %scan3A_36 = arith.constant 50 : i32
    %scan3A_37 = arith.addi %scan3A_35, %scan3A_36 : i32
    %scan3A_38 = arith.constant 1 : i32
    scf.for %scan3A_284 = %scan3A_35 to %scan3A_37 step %scan3A_38  : i32 {
      %mul3A_285 = arith.constant 5 : i32
      %mul3A_286 = arith.muli %mul3A_285, %scan3A_284 : i32
      %add3A_287 = arith.constant 0 : i32
      %add3A_288 = arith.addi %mul3A_286, %add3A_287 : i32
      %add3A_289 = arith.constant 5 : i32
      %add3A_290 = arith.addi %add3A_288, %add3A_289 : i32
      %sub3A = arith.constant 1 : i32
      %sub3A_291 = arith.subi %add3A_290, %sub3A : i32
      %lt3A = arith.constant 250 : i32
      %lt3A_292 = arith.cmpi slt, %sub3A_291, %lt3A : i32
      %add3A_293 = arith.constant 0 : i32
      %add3A_294 = arith.addi %mul3A_286, %add3A_293 : i32
      %add3A_295 = arith.constant 5 : i32
      %add3A_296 = arith.addi %add3A_294, %add3A_295 : i32
      %sub3A_297 = arith.constant 1 : i32
      %sub3A_298 = arith.subi %add3A_296, %sub3A_297 : i32
      %jit3A = arith.constant 0 : i32
      %select_n3A = arith.select %lt3A_292, %sub3A_298, %jit3A : i32
      %dma_wait3A_299 = arith.constant 0 : i32
      %dma_wait3A_300 = tpu.memref_slice %arg6[%dma_wait3A_299] : memref<10000xi32, #tpu.memory_space<vmem>> -> memref<40xi32, #tpu.memory_space<vmem>>
      %dma_wait3A_301 = arith.constant 0 : i32
      %dma_wait3A_302 = arith.constant 0 : i32
      %dma_wait3A_303 = tpu.memref_slice %arg2[%dma_wait3A_301, %dma_wait3A_302] : memref<10000x128xf32, #tpu.memory_space<hbm>> -> memref<10000x128xf32, #tpu.memory_space<hbm>>
      tpu.wait_indirect_dma semaphore(%arg14 : memref<!tpu.dma_semaphore, #tpu.memory_space<semaphore_mem>>) src(%dma_wait3A_303 : memref<10000x128xf32, #tpu.memory_space<hbm>>) dst(%arg8 : memref<40x128xf32, #tpu.memory_space<vmem>>)
      %mul3A_304 = arith.constant 40 : i32
      %mul3A_305 = arith.muli %select_n3A, %mul3A_304 : i32
      %dma_start3A_306 = tpu.memref_slice %arg6[%mul3A_305] : memref<10000xi32, #tpu.memory_space<vmem>> -> memref<40xi32, #tpu.memory_space<vmem>>
      %dma_start3A_307 = arith.constant 0 : i32
      %dma_start3A_308 = arith.constant 0 : i32
      %dma_start3A_309 = tpu.memref_slice %arg2[%dma_start3A_307, %dma_start3A_308] : memref<10000x128xf32, #tpu.memory_space<hbm>> -> memref<10000x128xf32, #tpu.memory_space<hbm>>
      tpu.enqueue_indirect_dma source(%dma_start3A_309 : memref<10000x128xf32, #tpu.memory_space<hbm>>) target(%arg12 : memref<40x128xf32, #tpu.memory_space<vmem>>) offsets(%dma_start3A_306 : memref<40xi32, #tpu.memory_space<vmem>>) semaphore(%arg18 : memref<!tpu.dma_semaphore, #tpu.memory_space<semaphore_mem>>)
      %add3A_310 = arith.constant 0 : i32
      %add3A_311 = arith.addi %mul3A_286, %add3A_310 : i32
      %mul3A_312 = arith.constant 40 : i32
      %mul3A_313 = arith.muli %add3A_311, %mul3A_312 : i32
      "tpu.region"() ({
        %run_scoped3A = tpu.sem_alloc : memref<!tpu.dma_semaphore, #tpu.memory_space<semaphore_mem>>
        %dma_start3A_438 = tpu.memref_slice %arg7[%mul3A_313] : memref<10000xi32, #tpu.memory_space<vmem>> -> memref<40xi32, #tpu.memory_space<vmem>>
        %dma_start3A_439 = arith.constant 0 : i32
        %dma_start3A_440 = arith.constant 0 : i32
        %dma_start3A_441 = tpu.memref_slice %arg13[%dma_start3A_439, %dma_start3A_440] : memref<10240x128xf32, #tpu.memory_space<vmem_shared>> -> memref<10240x128xf32, #tpu.memory_space<vmem_shared>>
        tpu.enqueue_indirect_dma source(%arg8 : memref<40x128xf32, #tpu.memory_space<vmem>>) target(%dma_start3A_441 : memref<10240x128xf32, #tpu.memory_space<vmem_shared>>) offsets(%dma_start3A_438 : memref<40xi32, #tpu.memory_space<vmem>>) semaphore(%run_scoped3A : memref<!tpu.dma_semaphore, #tpu.memory_space<semaphore_mem>>) {add = true}
        %dma_wait3A_442 = tpu.memref_slice %arg7[%mul3A_313] : memref<10000xi32, #tpu.memory_space<vmem>> -> memref<40xi32, #tpu.memory_space<vmem>>
        %dma_wait3A_443 = arith.constant 0 : i32
        %dma_wait3A_444 = arith.constant 0 : i32
        %dma_wait3A_445 = tpu.memref_slice %arg13[%dma_wait3A_443, %dma_wait3A_444] : memref<10240x128xf32, #tpu.memory_space<vmem_shared>> -> memref<10240x128xf32, #tpu.memory_space<vmem_shared>>
        tpu.wait_indirect_dma semaphore(%run_scoped3A : memref<!tpu.dma_semaphore, #tpu.memory_space<semaphore_mem>>) src(%arg8 : memref<40x128xf32, #tpu.memory_space<vmem>>) dst(%dma_wait3A_445 : memref<10240x128xf32, #tpu.memory_space<vmem_shared>>)
        tpu.yield
      }) : () -> ()
      %add3A_314 = arith.constant 1 : i32
      %add3A_315 = arith.addi %mul3A_286, %add3A_314 : i32
      %add3A_316 = arith.constant 5 : i32
      %add3A_317 = arith.addi %add3A_315, %add3A_316 : i32
      %sub3A_318 = arith.constant 1 : i32
      %sub3A_319 = arith.subi %add3A_317, %sub3A_318 : i32
      %lt3A_320 = arith.constant 250 : i32
      %lt3A_321 = arith.cmpi slt, %sub3A_319, %lt3A_320 : i32
      %add3A_322 = arith.constant 1 : i32
      %add3A_323 = arith.addi %mul3A_286, %add3A_322 : i32
      %add3A_324 = arith.constant 5 : i32
      %add3A_325 = arith.addi %add3A_323, %add3A_324 : i32
      %sub3A_326 = arith.constant 1 : i32
      %sub3A_327 = arith.subi %add3A_325, %sub3A_326 : i32
      %jit3A_328 = arith.constant 0 : i32
      %select_n3A_329 = arith.select %lt3A_321, %sub3A_327, %jit3A_328 : i32
      %dma_wait3A_330 = arith.constant 0 : i32
      %dma_wait3A_331 = tpu.memref_slice %arg6[%dma_wait3A_330] : memref<10000xi32, #tpu.memory_space<vmem>> -> memref<40xi32, #tpu.memory_space<vmem>>
      %dma_wait3A_332 = arith.constant 0 : i32
      %dma_wait3A_333 = arith.constant 0 : i32
      %dma_wait3A_334 = tpu.memref_slice %arg2[%dma_wait3A_332, %dma_wait3A_333] : memref<10000x128xf32, #tpu.memory_space<hbm>> -> memref<10000x128xf32, #tpu.memory_space<hbm>>
      tpu.wait_indirect_dma semaphore(%arg15 : memref<!tpu.dma_semaphore, #tpu.memory_space<semaphore_mem>>) src(%dma_wait3A_334 : memref<10000x128xf32, #tpu.memory_space<hbm>>) dst(%arg9 : memref<40x128xf32, #tpu.memory_space<vmem>>)
      %mul3A_335 = arith.constant 40 : i32
      %mul3A_336 = arith.muli %select_n3A_329, %mul3A_335 : i32
      %dma_start3A_337 = tpu.memref_slice %arg6[%mul3A_336] : memref<10000xi32, #tpu.memory_space<vmem>> -> memref<40xi32, #tpu.memory_space<vmem>>
      %dma_start3A_338 = arith.constant 0 : i32
      %dma_start3A_339 = arith.constant 0 : i32
      %dma_start3A_340 = tpu.memref_slice %arg2[%dma_start3A_338, %dma_start3A_339] : memref<10000x128xf32, #tpu.memory_space<hbm>> -> memref<10000x128xf32, #tpu.memory_space<hbm>>
      tpu.enqueue_indirect_dma source(%dma_start3A_340 : memref<10000x128xf32, #tpu.memory_space<hbm>>) target(%arg8 : memref<40x128xf32, #tpu.memory_space<vmem>>) offsets(%dma_start3A_337 : memref<40xi32, #tpu.memory_space<vmem>>) semaphore(%arg14 : memref<!tpu.dma_semaphore, #tpu.memory_space<semaphore_mem>>)
      %add3A_341 = arith.constant 1 : i32
      %add3A_342 = arith.addi %mul3A_286, %add3A_341 : i32
      %mul3A_343 = arith.constant 40 : i32
      %mul3A_344 = arith.muli %add3A_342, %mul3A_343 : i32
      "tpu.region"() ({
        %run_scoped3A = tpu.sem_alloc : memref<!tpu.dma_semaphore, #tpu.memory_space<semaphore_mem>>
        %dma_start3A_438 = tpu.memref_slice %arg7[%mul3A_344] : memref<10000xi32, #tpu.memory_space<vmem>> -> memref<40xi32, #tpu.memory_space<vmem>>
        %dma_start3A_439 = arith.constant 0 : i32
        %dma_start3A_440 = arith.constant 0 : i32
        %dma_start3A_441 = tpu.memref_slice %arg13[%dma_start3A_439, %dma_start3A_440] : memref<10240x128xf32, #tpu.memory_space<vmem_shared>> -> memref<10240x128xf32, #tpu.memory_space<vmem_shared>>
        tpu.enqueue_indirect_dma source(%arg9 : memref<40x128xf32, #tpu.memory_space<vmem>>) target(%dma_start3A_441 : memref<10240x128xf32, #tpu.memory_space<vmem_shared>>) offsets(%dma_start3A_438 : memref<40xi32, #tpu.memory_space<vmem>>) semaphore(%run_scoped3A : memref<!tpu.dma_semaphore, #tpu.memory_space<semaphore_mem>>) {add = true}
        %dma_wait3A_442 = tpu.memref_slice %arg7[%mul3A_344] : memref<10000xi32, #tpu.memory_space<vmem>> -> memref<40xi32, #tpu.memory_space<vmem>>
        %dma_wait3A_443 = arith.constant 0 : i32
        %dma_wait3A_444 = arith.constant 0 : i32
        %dma_wait3A_445 = tpu.memref_slice %arg13[%dma_wait3A_443, %dma_wait3A_444] : memref<10240x128xf32, #tpu.memory_space<vmem_shared>> -> memref<10240x128xf32, #tpu.memory_space<vmem_shared>>
        tpu.wait_indirect_dma semaphore(%run_scoped3A : memref<!tpu.dma_semaphore, #tpu.memory_space<semaphore_mem>>) src(%arg9 : memref<40x128xf32, #tpu.memory_space<vmem>>) dst(%dma_wait3A_445 : memref<10240x128xf32, #tpu.memory_space<vmem_shared>>)
        tpu.yield
      }) : () -> ()
      %add3A_345 = arith.constant 2 : i32
      %add3A_346 = arith.addi %mul3A_286, %add3A_345 : i32
      %add3A_347 = arith.constant 5 : i32
      %add3A_348 = arith.addi %add3A_346, %add3A_347 : i32
      %sub3A_349 = arith.constant 1 : i32
      %sub3A_350 = arith.subi %add3A_348, %sub3A_349 : i32
      %lt3A_351 = arith.constant 250 : i32
      %lt3A_352 = arith.cmpi slt, %sub3A_350, %lt3A_351 : i32
      %add3A_353 = arith.constant 2 : i32
      %add3A_354 = arith.addi %mul3A_286, %add3A_353 : i32
      %add3A_355 = arith.constant 5 : i32
      %add3A_356 = arith.addi %add3A_354, %add3A_355 : i32
      %sub3A_357 = arith.constant 1 : i32
      %sub3A_358 = arith.subi %add3A_356, %sub3A_357 : i32
      %jit3A_359 = arith.constant 0 : i32
      %select_n3A_360 = arith.select %lt3A_352, %sub3A_358, %jit3A_359 : i32
      %dma_wait3A_361 = arith.constant 0 : i32
      %dma_wait3A_362 = tpu.memref_slice %arg6[%dma_wait3A_361] : memref<10000xi32, #tpu.memory_space<vmem>> -> memref<40xi32, #tpu.memory_space<vmem>>
      %dma_wait3A_363 = arith.constant 0 : i32
      %dma_wait3A_364 = arith.constant 0 : i32
      %dma_wait3A_365 = tpu.memref_slice %arg2[%dma_wait3A_363, %dma_wait3A_364] : memref<10000x128xf32, #tpu.memory_space<hbm>> -> memref<10000x128xf32, #tpu.memory_space<hbm>>
      tpu.wait_indirect_dma semaphore(%arg16 : memref<!tpu.dma_semaphore, #tpu.memory_space<semaphore_mem>>) src(%dma_wait3A_365 : memref<10000x128xf32, #tpu.memory_space<hbm>>) dst(%arg10 : memref<40x128xf32, #tpu.memory_space<vmem>>)
      %mul3A_366 = arith.constant 40 : i32
      %mul3A_367 = arith.muli %select_n3A_360, %mul3A_366 : i32
      %dma_start3A_368 = tpu.memref_slice %arg6[%mul3A_367] : memref<10000xi32, #tpu.memory_space<vmem>> -> memref<40xi32, #tpu.memory_space<vmem>>
      %dma_start3A_369 = arith.constant 0 : i32
      %dma_start3A_370 = arith.constant 0 : i32
      %dma_start3A_371 = tpu.memref_slice %arg2[%dma_start3A_369, %dma_start3A_370] : memref<10000x128xf32, #tpu.memory_space<hbm>> -> memref<10000x128xf32, #tpu.memory_space<hbm>>
      tpu.enqueue_indirect_dma source(%dma_start3A_371 : memref<10000x128xf32, #tpu.memory_space<hbm>>) target(%arg9 : memref<40x128xf32, #tpu.memory_space<vmem>>) offsets(%dma_start3A_368 : memref<40xi32, #tpu.memory_space<vmem>>) semaphore(%arg15 : memref<!tpu.dma_semaphore, #tpu.memory_space<semaphore_mem>>)
      %add3A_372 = arith.constant 2 : i32
      %add3A_373 = arith.addi %mul3A_286, %add3A_372 : i32
      %mul3A_374 = arith.constant 40 : i32
      %mul3A_375 = arith.muli %add3A_373, %mul3A_374 : i32
      "tpu.region"() ({
        %run_scoped3A = tpu.sem_alloc : memref<!tpu.dma_semaphore, #tpu.memory_space<semaphore_mem>>
        %dma_start3A_438 = tpu.memref_slice %arg7[%mul3A_375] : memref<10000xi32, #tpu.memory_space<vmem>> -> memref<40xi32, #tpu.memory_space<vmem>>
        %dma_start3A_439 = arith.constant 0 : i32
        %dma_start3A_440 = arith.constant 0 : i32
        %dma_start3A_441 = tpu.memref_slice %arg13[%dma_start3A_439, %dma_start3A_440] : memref<10240x128xf32, #tpu.memory_space<vmem_shared>> -> memref<10240x128xf32, #tpu.memory_space<vmem_shared>>
        tpu.enqueue_indirect_dma source(%arg10 : memref<40x128xf32, #tpu.memory_space<vmem>>) target(%dma_start3A_441 : memref<10240x128xf32, #tpu.memory_space<vmem_shared>>) offsets(%dma_start3A_438 : memref<40xi32, #tpu.memory_space<vmem>>) semaphore(%run_scoped3A : memref<!tpu.dma_semaphore, #tpu.memory_space<semaphore_mem>>) {add = true}
        %dma_wait3A_442 = tpu.memref_slice %arg7[%mul3A_375] : memref<10000xi32, #tpu.memory_space<vmem>> -> memref<40xi32, #tpu.memory_space<vmem>>
        %dma_wait3A_443 = arith.constant 0 : i32
        %dma_wait3A_444 = arith.constant 0 : i32
        %dma_wait3A_445 = tpu.memref_slice %arg13[%dma_wait3A_443, %dma_wait3A_444] : memref<10240x128xf32, #tpu.memory_space<vmem_shared>> -> memref<10240x128xf32, #tpu.memory_space<vmem_shared>>
        tpu.wait_indirect_dma semaphore(%run_scoped3A : memref<!tpu.dma_semaphore, #tpu.memory_space<semaphore_mem>>) src(%arg10 : memref<40x128xf32, #tpu.memory_space<vmem>>) dst(%dma_wait3A_445 : memref<10240x128xf32, #tpu.memory_space<vmem_shared>>)
        tpu.yield
      }) : () -> ()
      %add3A_376 = arith.constant 3 : i32
      %add3A_377 = arith.addi %mul3A_286, %add3A_376 : i32
      %add3A_378 = arith.constant 5 : i32
      %add3A_379 = arith.addi %add3A_377, %add3A_378 : i32
      %sub3A_380 = arith.constant 1 : i32
      %sub3A_381 = arith.subi %add3A_379, %sub3A_380 : i32
      %lt3A_382 = arith.constant 250 : i32
      %lt3A_383 = arith.cmpi slt, %sub3A_381, %lt3A_382 : i32
      %add3A_384 = arith.constant 3 : i32
      %add3A_385 = arith.addi %mul3A_286, %add3A_384 : i32
      %add3A_386 = arith.constant 5 : i32
      %add3A_387 = arith.addi %add3A_385, %add3A_386 : i32
      %sub3A_388 = arith.constant 1 : i32
      %sub3A_389 = arith.subi %add3A_387, %sub3A_388 : i32
      %jit3A_390 = arith.constant 0 : i32
      %select_n3A_391 = arith.select %lt3A_383, %sub3A_389, %jit3A_390 : i32
      %dma_wait3A_392 = arith.constant 0 : i32
      %dma_wait3A_393 = tpu.memref_slice %arg6[%dma_wait3A_392] : memref<10000xi32, #tpu.memory_space<vmem>> -> memref<40xi32, #tpu.memory_space<vmem>>
      %dma_wait3A_394 = arith.constant 0 : i32
      %dma_wait3A_395 = arith.constant 0 : i32
      %dma_wait3A_396 = tpu.memref_slice %arg2[%dma_wait3A_394, %dma_wait3A_395] : memref<10000x128xf32, #tpu.memory_space<hbm>> -> memref<10000x128xf32, #tpu.memory_space<hbm>>
      tpu.wait_indirect_dma semaphore(%arg17 : memref<!tpu.dma_semaphore, #tpu.memory_space<semaphore_mem>>) src(%dma_wait3A_396 : memref<10000x128xf32, #tpu.memory_space<hbm>>) dst(%arg11 : memref<40x128xf32, #tpu.memory_space<vmem>>)
      %mul3A_397 = arith.constant 40 : i32
      %mul3A_398 = arith.muli %select_n3A_391, %mul3A_397 : i32
      %dma_start3A_399 = tpu.memref_slice %arg6[%mul3A_398] : memref<10000xi32, #tpu.memory_space<vmem>> -> memref<40xi32, #tpu.memory_space<vmem>>
      %dma_start3A_400 = arith.constant 0 : i32
      %dma_start3A_401 = arith.constant 0 : i32
      %dma_start3A_402 = tpu.memref_slice %arg2[%dma_start3A_400, %dma_start3A_401] : memref<10000x128xf32, #tpu.memory_space<hbm>> -> memref<10000x128xf32, #tpu.memory_space<hbm>>
      tpu.enqueue_indirect_dma source(%dma_start3A_402 : memref<10000x128xf32, #tpu.memory_space<hbm>>) target(%arg10 : memref<40x128xf32, #tpu.memory_space<vmem>>) offsets(%dma_start3A_399 : memref<40xi32, #tpu.memory_space<vmem>>) semaphore(%arg16 : memref<!tpu.dma_semaphore, #tpu.memory_space<semaphore_mem>>)
      %add3A_403 = arith.constant 3 : i32
      %add3A_404 = arith.addi %mul3A_286, %add3A_403 : i32
      %mul3A_405 = arith.constant 40 : i32
      %mul3A_406 = arith.muli %add3A_404, %mul3A_405 : i32
      "tpu.region"() ({
        %run_scoped3A = tpu.sem_alloc : memref<!tpu.dma_semaphore, #tpu.memory_space<semaphore_mem>>
        %dma_start3A_438 = tpu.memref_slice %arg7[%mul3A_406] : memref<10000xi32, #tpu.memory_space<vmem>> -> memref<40xi32, #tpu.memory_space<vmem>>
        %dma_start3A_439 = arith.constant 0 : i32
        %dma_start3A_440 = arith.constant 0 : i32
        %dma_start3A_441 = tpu.memref_slice %arg13[%dma_start3A_439, %dma_start3A_440] : memref<10240x128xf32, #tpu.memory_space<vmem_shared>> -> memref<10240x128xf32, #tpu.memory_space<vmem_shared>>
        tpu.enqueue_indirect_dma source(%arg11 : memref<40x128xf32, #tpu.memory_space<vmem>>) target(%dma_start3A_441 : memref<10240x128xf32, #tpu.memory_space<vmem_shared>>) offsets(%dma_start3A_438 : memref<40xi32, #tpu.memory_space<vmem>>) semaphore(%run_scoped3A : memref<!tpu.dma_semaphore, #tpu.memory_space<semaphore_mem>>) {add = true}
        %dma_wait3A_442 = tpu.memref_slice %arg7[%mul3A_406] : memref<10000xi32, #tpu.memory_space<vmem>> -> memref<40xi32, #tpu.memory_space<vmem>>
        %dma_wait3A_443 = arith.constant 0 : i32
        %dma_wait3A_444 = arith.constant 0 : i32
        %dma_wait3A_445 = tpu.memref_slice %arg13[%dma_wait3A_443, %dma_wait3A_444] : memref<10240x128xf32, #tpu.memory_space<vmem_shared>> -> memref<10240x128xf32, #tpu.memory_space<vmem_shared>>
        tpu.wait_indirect_dma semaphore(%run_scoped3A : memref<!tpu.dma_semaphore, #tpu.memory_space<semaphore_mem>>) src(%arg11 : memref<40x128xf32, #tpu.memory_space<vmem>>) dst(%dma_wait3A_445 : memref<10240x128xf32, #tpu.memory_space<vmem_shared>>)
        tpu.yield
      }) : () -> ()
      %add3A_407 = arith.constant 4 : i32
      %add3A_408 = arith.addi %mul3A_286, %add3A_407 : i32
      %add3A_409 = arith.constant 5 : i32
      %add3A_410 = arith.addi %add3A_408, %add3A_409 : i32
      %sub3A_411 = arith.constant 1 : i32
      %sub3A_412 = arith.subi %add3A_410, %sub3A_411 : i32
      %lt3A_413 = arith.constant 250 : i32
      %lt3A_414 = arith.cmpi slt, %sub3A_412, %lt3A_413 : i32
      %add3A_415 = arith.constant 4 : i32
      %add3A_416 = arith.addi %mul3A_286, %add3A_415 : i32
      %add3A_417 = arith.constant 5 : i32
      %add3A_418 = arith.addi %add3A_416, %add3A_417 : i32
      %sub3A_419 = arith.constant 1 : i32
      %sub3A_420 = arith.subi %add3A_418, %sub3A_419 : i32
      %jit3A_421 = arith.constant 0 : i32
      %select_n3A_422 = arith.select %lt3A_414, %sub3A_420, %jit3A_421 : i32
      %dma_wait3A_423 = arith.constant 0 : i32
      %dma_wait3A_424 = tpu.memref_slice %arg6[%dma_wait3A_423] : memref<10000xi32, #tpu.memory_space<vmem>> -> memref<40xi32, #tpu.memory_space<vmem>>
      %dma_wait3A_425 = arith.constant 0 : i32
      %dma_wait3A_426 = arith.constant 0 : i32
      %dma_wait3A_427 = tpu.memref_slice %arg2[%dma_wait3A_425, %dma_wait3A_426] : memref<10000x128xf32, #tpu.memory_space<hbm>> -> memref<10000x128xf32, #tpu.memory_space<hbm>>
      tpu.wait_indirect_dma semaphore(%arg18 : memref<!tpu.dma_semaphore, #tpu.memory_space<semaphore_mem>>) src(%dma_wait3A_427 : memref<10000x128xf32, #tpu.memory_space<hbm>>) dst(%arg12 : memref<40x128xf32, #tpu.memory_space<vmem>>)
      %mul3A_428 = arith.constant 40 : i32
      %mul3A_429 = arith.muli %select_n3A_422, %mul3A_428 : i32
      %dma_start3A_430 = tpu.memref_slice %arg6[%mul3A_429] : memref<10000xi32, #tpu.memory_space<vmem>> -> memref<40xi32, #tpu.memory_space<vmem>>
      %dma_start3A_431 = arith.constant 0 : i32
      %dma_start3A_432 = arith.constant 0 : i32
      %dma_start3A_433 = tpu.memref_slice %arg2[%dma_start3A_431, %dma_start3A_432] : memref<10000x128xf32, #tpu.memory_space<hbm>> -> memref<10000x128xf32, #tpu.memory_space<hbm>>
      tpu.enqueue_indirect_dma source(%dma_start3A_433 : memref<10000x128xf32, #tpu.memory_space<hbm>>) target(%arg11 : memref<40x128xf32, #tpu.memory_space<vmem>>) offsets(%dma_start3A_430 : memref<40xi32, #tpu.memory_space<vmem>>) semaphore(%arg17 : memref<!tpu.dma_semaphore, #tpu.memory_space<semaphore_mem>>)
      %add3A_434 = arith.constant 4 : i32
      %add3A_435 = arith.addi %mul3A_286, %add3A_434 : i32
      %mul3A_436 = arith.constant 40 : i32
      %mul3A_437 = arith.muli %add3A_435, %mul3A_436 : i32
      "tpu.region"() ({
        %run_scoped3A = tpu.sem_alloc : memref<!tpu.dma_semaphore, #tpu.memory_space<semaphore_mem>>
        %dma_start3A_438 = tpu.memref_slice %arg7[%mul3A_437] : memref<10000xi32, #tpu.memory_space<vmem>> -> memref<40xi32, #tpu.memory_space<vmem>>
        %dma_start3A_439 = arith.constant 0 : i32
        %dma_start3A_440 = arith.constant 0 : i32
        %dma_start3A_441 = tpu.memref_slice %arg13[%dma_start3A_439, %dma_start3A_440] : memref<10240x128xf32, #tpu.memory_space<vmem_shared>> -> memref<10240x128xf32, #tpu.memory_space<vmem_shared>>
        tpu.enqueue_indirect_dma source(%arg12 : memref<40x128xf32, #tpu.memory_space<vmem>>) target(%dma_start3A_441 : memref<10240x128xf32, #tpu.memory_space<vmem_shared>>) offsets(%dma_start3A_438 : memref<40xi32, #tpu.memory_space<vmem>>) semaphore(%run_scoped3A : memref<!tpu.dma_semaphore, #tpu.memory_space<semaphore_mem>>) {add = true}
        %dma_wait3A_442 = tpu.memref_slice %arg7[%mul3A_437] : memref<10000xi32, #tpu.memory_space<vmem>> -> memref<40xi32, #tpu.memory_space<vmem>>
        %dma_wait3A_443 = arith.constant 0 : i32
        %dma_wait3A_444 = arith.constant 0 : i32
        %dma_wait3A_445 = tpu.memref_slice %arg13[%dma_wait3A_443, %dma_wait3A_444] : memref<10240x128xf32, #tpu.memory_space<vmem_shared>> -> memref<10240x128xf32, #tpu.memory_space<vmem_shared>>
        tpu.wait_indirect_dma semaphore(%run_scoped3A : memref<!tpu.dma_semaphore, #tpu.memory_space<semaphore_mem>>) src(%arg12 : memref<40x128xf32, #tpu.memory_space<vmem>>) dst(%dma_wait3A_445 : memref<10240x128xf32, #tpu.memory_space<vmem_shared>>)
        tpu.yield
      }) : () -> ()
    }
    %scan3A_39 = arith.constant 50 : i32
    %dma_wait3A = arith.constant 0 : i32
    %dma_wait3A_40 = tpu.memref_slice %arg6[%dma_wait3A] : memref<10000xi32, #tpu.memory_space<vmem>> -> memref<40xi32, #tpu.memory_space<vmem>>
    %dma_wait3A_41 = arith.constant 0 : i32
    %dma_wait3A_42 = arith.constant 0 : i32
    %dma_wait3A_43 = tpu.memref_slice %arg2[%dma_wait3A_41, %dma_wait3A_42] : memref<10000x128xf32, #tpu.memory_space<hbm>> -> memref<10000x128xf32, #tpu.memory_space<hbm>>
    tpu.wait_indirect_dma semaphore(%arg14 : memref<!tpu.dma_semaphore, #tpu.memory_space<semaphore_mem>>) src(%dma_wait3A_43 : memref<10000x128xf32, #tpu.memory_space<hbm>>) dst(%arg8 : memref<40x128xf32, #tpu.memory_space<vmem>>)
    %dma_wait3A_44 = arith.constant 0 : i32
    %dma_wait3A_45 = tpu.memref_slice %arg6[%dma_wait3A_44] : memref<10000xi32, #tpu.memory_space<vmem>> -> memref<40xi32, #tpu.memory_space<vmem>>
    %dma_wait3A_46 = arith.constant 0 : i32
    %dma_wait3A_47 = arith.constant 0 : i32
    %dma_wait3A_48 = tpu.memref_slice %arg2[%dma_wait3A_46, %dma_wait3A_47] : memref<10000x128xf32, #tpu.memory_space<hbm>> -> memref<10000x128xf32, #tpu.memory_space<hbm>>
    tpu.wait_indirect_dma semaphore(%arg15 : memref<!tpu.dma_semaphore, #tpu.memory_space<semaphore_mem>>) src(%dma_wait3A_48 : memref<10000x128xf32, #tpu.memory_space<hbm>>) dst(%arg9 : memref<40x128xf32, #tpu.memory_space<vmem>>)
    %dma_wait3A_49 = arith.constant 0 : i32
    %dma_wait3A_50 = tpu.memref_slice %arg6[%dma_wait3A_49] : memref<10000xi32, #tpu.memory_space<vmem>> -> memref<40xi32, #tpu.memory_space<vmem>>
    %dma_wait3A_51 = arith.constant 0 : i32
    %dma_wait3A_52 = arith.constant 0 : i32
    %dma_wait3A_53 = tpu.memref_slice %arg2[%dma_wait3A_51, %dma_wait3A_52] : memref<10000x128xf32, #tpu.memory_space<hbm>> -> memref<10000x128xf32, #tpu.memory_space<hbm>>
    tpu.wait_indirect_dma semaphore(%arg16 : memref<!tpu.dma_semaphore, #tpu.memory_space<semaphore_mem>>) src(%dma_wait3A_53 : memref<10000x128xf32, #tpu.memory_space<hbm>>) dst(%arg10 : memref<40x128xf32, #tpu.memory_space<vmem>>)
    %dma_wait3A_54 = arith.constant 0 : i32
    %dma_wait3A_55 = tpu.memref_slice %arg6[%dma_wait3A_54] : memref<10000xi32, #tpu.memory_space<vmem>> -> memref<40xi32, #tpu.memory_space<vmem>>
    %dma_wait3A_56 = arith.constant 0 : i32
    %dma_wait3A_57 = arith.constant 0 : i32
    %dma_wait3A_58 = tpu.memref_slice %arg2[%dma_wait3A_56, %dma_wait3A_57] : memref<10000x128xf32, #tpu.memory_space<hbm>> -> memref<10000x128xf32, #tpu.memory_space<hbm>>
    tpu.wait_indirect_dma semaphore(%arg17 : memref<!tpu.dma_semaphore, #tpu.memory_space<semaphore_mem>>) src(%dma_wait3A_58 : memref<10000x128xf32, #tpu.memory_space<hbm>>) dst(%arg11 : memref<40x128xf32, #tpu.memory_space<vmem>>)
    %barrier3A_59 = arith.constant 0 : index
    tpu.barrier barrier_id(%barrier3A_59)
    %add3A_60 = arith.constant 0 : i32
    %add3A_61 = arith.addi %mul3A_8, %add3A_60 : i32
    "tpu.region"() ({
      %run_scoped3A = tpu.sem_alloc : memref<!tpu.dma_semaphore, #tpu.memory_space<semaphore_mem>>
      %dma_start3A_284 = arith.constant 0 : i32
      %dma_start3A_285 = tpu.memref_slice %arg13[%add3A_61, %dma_start3A_284] : memref<10240x128xf32, #tpu.memory_space<vmem_shared>> -> memref<40x128xf32, #tpu.memory_space<vmem_shared>>
      %dma_start3A_286 = arith.constant 0 : i32
      %dma_start3A_287 = tpu.memref_slice %arg13[%add3A_61, %dma_start3A_286] : memref<10240x128xf32, #tpu.memory_space<vmem_shared>> -> memref<40x128xf32, #tpu.memory_space<vmem_shared>>
      tpu.enqueue_dma source(%dma_start3A_287 : memref<40x128xf32, #tpu.memory_space<vmem_shared>>) target(%arg8 : memref<40x128xf32, #tpu.memory_space<vmem>>) target_semaphore(%run_scoped3A : memref<!tpu.dma_semaphore, #tpu.memory_space<semaphore_mem>>)
      %dma_wait3A_288 = arith.constant 0 : i32
      %dma_wait3A_289 = tpu.memref_slice %arg13[%add3A_61, %dma_wait3A_288] : memref<10240x128xf32, #tpu.memory_space<vmem_shared>> -> memref<40x128xf32, #tpu.memory_space<vmem_shared>>
      %dma_wait3A_290 = arith.constant 0 : i32
      %dma_wait3A_291 = tpu.memref_slice %arg13[%add3A_61, %dma_wait3A_290] : memref<10240x128xf32, #tpu.memory_space<vmem_shared>> -> memref<40x128xf32, #tpu.memory_space<vmem_shared>>
      tpu.wait_dma2 semaphore(%run_scoped3A : memref<!tpu.dma_semaphore, #tpu.memory_space<semaphore_mem>>) src(%dma_wait3A_291 : memref<40x128xf32, #tpu.memory_space<vmem_shared>>) dst(%arg8 : memref<40x128xf32, #tpu.memory_space<vmem>>)
      tpu.yield
    }) : () -> ()
    %dma_start3A_62 = arith.constant 0 : i32
    %dma_start3A_63 = tpu.memref_slice %arg5[%arg0, %add3A_61, %dma_start3A_62] : memref<2x10240x128xf32, #tpu.memory_space<hbm>> -> memref<1x40x128xf32, #tpu.memory_space<hbm>>
    %dma_start3A_64 = tpu.memref_squeeze %dma_start3A_63 : memref<1x40x128xf32, #tpu.memory_space<hbm>> -> memref<40x128xf32, #tpu.memory_space<hbm>>
    %dma_start3A_65 = arith.constant 0 : i32
    %dma_start3A_66 = tpu.memref_slice %arg5[%arg0, %add3A_61, %dma_start3A_65] : memref<2x10240x128xf32, #tpu.memory_space<hbm>> -> memref<1x40x128xf32, #tpu.memory_space<hbm>>
    %dma_start3A_67 = tpu.memref_squeeze %dma_start3A_66 : memref<1x40x128xf32, #tpu.memory_space<hbm>> -> memref<40x128xf32, #tpu.memory_space<hbm>>
    tpu.enqueue_dma source(%arg8 : memref<40x128xf32, #tpu.memory_space<vmem>>) target(%dma_start3A_67 : memref<40x128xf32, #tpu.memory_space<hbm>>) target_semaphore(%arg14 : memref<!tpu.dma_semaphore, #tpu.memory_space<semaphore_mem>>)
    %add3A_68 = arith.constant 40 : i32
    %add3A_69 = arith.addi %mul3A_8, %add3A_68 : i32
    "tpu.region"() ({
      %run_scoped3A = tpu.sem_alloc : memref<!tpu.dma_semaphore, #tpu.memory_space<semaphore_mem>>
      %dma_start3A_284 = arith.constant 0 : i32
      %dma_start3A_285 = tpu.memref_slice %arg13[%add3A_69, %dma_start3A_284] : memref<10240x128xf32, #tpu.memory_space<vmem_shared>> -> memref<40x128xf32, #tpu.memory_space<vmem_shared>>
      %dma_start3A_286 = arith.constant 0 : i32
      %dma_start3A_287 = tpu.memref_slice %arg13[%add3A_69, %dma_start3A_286] : memref<10240x128xf32, #tpu.memory_space<vmem_shared>> -> memref<40x128xf32, #tpu.memory_space<vmem_shared>>
      tpu.enqueue_dma source(%dma_start3A_287 : memref<40x128xf32, #tpu.memory_space<vmem_shared>>) target(%arg9 : memref<40x128xf32, #tpu.memory_space<vmem>>) target_semaphore(%run_scoped3A : memref<!tpu.dma_semaphore, #tpu.memory_space<semaphore_mem>>)
      %dma_wait3A_288 = arith.constant 0 : i32
      %dma_wait3A_289 = tpu.memref_slice %arg13[%add3A_69, %dma_wait3A_288] : memref<10240x128xf32, #tpu.memory_space<vmem_shared>> -> memref<40x128xf32, #tpu.memory_space<vmem_shared>>
      %dma_wait3A_290 = arith.constant 0 : i32
      %dma_wait3A_291 = tpu.memref_slice %arg13[%add3A_69, %dma_wait3A_290] : memref<10240x128xf32, #tpu.memory_space<vmem_shared>> -> memref<40x128xf32, #tpu.memory_space<vmem_shared>>
      tpu.wait_dma2 semaphore(%run_scoped3A : memref<!tpu.dma_semaphore, #tpu.memory_space<semaphore_mem>>) src(%dma_wait3A_291 : memref<40x128xf32, #tpu.memory_space<vmem_shared>>) dst(%arg9 : memref<40x128xf32, #tpu.memory_space<vmem>>)
      tpu.yield
    }) : () -> ()
    %dma_start3A_70 = arith.constant 0 : i32
    %dma_start3A_71 = tpu.memref_slice %arg5[%arg0, %add3A_69, %dma_start3A_70] : memref<2x10240x128xf32, #tpu.memory_space<hbm>> -> memref<1x40x128xf32, #tpu.memory_space<hbm>>
    %dma_start3A_72 = tpu.memref_squeeze %dma_start3A_71 : memref<1x40x128xf32, #tpu.memory_space<hbm>> -> memref<40x128xf32, #tpu.memory_space<hbm>>
    %dma_start3A_73 = arith.constant 0 : i32
    %dma_start3A_74 = tpu.memref_slice %arg5[%arg0, %add3A_69, %dma_start3A_73] : memref<2x10240x128xf32, #tpu.memory_space<hbm>> -> memref<1x40x128xf32, #tpu.memory_space<hbm>>
    %dma_start3A_75 = tpu.memref_squeeze %dma_start3A_74 : memref<1x40x128xf32, #tpu.memory_space<hbm>> -> memref<40x128xf32, #tpu.memory_space<hbm>>
    tpu.enqueue_dma source(%arg9 : memref<40x128xf32, #tpu.memory_space<vmem>>) target(%dma_start3A_75 : memref<40x128xf32, #tpu.memory_space<hbm>>) target_semaphore(%arg15 : memref<!tpu.dma_semaphore, #tpu.memory_space<semaphore_mem>>)
    %add3A_76 = arith.constant 80 : i32
    %add3A_77 = arith.addi %mul3A_8, %add3A_76 : i32
    "tpu.region"() ({
      %run_scoped3A = tpu.sem_alloc : memref<!tpu.dma_semaphore, #tpu.memory_space<semaphore_mem>>
      %dma_start3A_284 = arith.constant 0 : i32
      %dma_start3A_285 = tpu.memref_slice %arg13[%add3A_77, %dma_start3A_284] : memref<10240x128xf32, #tpu.memory_space<vmem_shared>> -> memref<40x128xf32, #tpu.memory_space<vmem_shared>>
      %dma_start3A_286 = arith.constant 0 : i32
      %dma_start3A_287 = tpu.memref_slice %arg13[%add3A_77, %dma_start3A_286] : memref<10240x128xf32, #tpu.memory_space<vmem_shared>> -> memref<40x128xf32, #tpu.memory_space<vmem_shared>>
      tpu.enqueue_dma source(%dma_start3A_287 : memref<40x128xf32, #tpu.memory_space<vmem_shared>>) target(%arg10 : memref<40x128xf32, #tpu.memory_space<vmem>>) target_semaphore(%run_scoped3A : memref<!tpu.dma_semaphore, #tpu.memory_space<semaphore_mem>>)
      %dma_wait3A_288 = arith.constant 0 : i32
      %dma_wait3A_289 = tpu.memref_slice %arg13[%add3A_77, %dma_wait3A_288] : memref<10240x128xf32, #tpu.memory_space<vmem_shared>> -> memref<40x128xf32, #tpu.memory_space<vmem_shared>>
      %dma_wait3A_290 = arith.constant 0 : i32
      %dma_wait3A_291 = tpu.memref_slice %arg13[%add3A_77, %dma_wait3A_290] : memref<10240x128xf32, #tpu.memory_space<vmem_shared>> -> memref<40x128xf32, #tpu.memory_space<vmem_shared>>
      tpu.wait_dma2 semaphore(%run_scoped3A : memref<!tpu.dma_semaphore, #tpu.memory_space<semaphore_mem>>) src(%dma_wait3A_291 : memref<40x128xf32, #tpu.memory_space<vmem_shared>>) dst(%arg10 : memref<40x128xf32, #tpu.memory_space<vmem>>)
      tpu.yield
    }) : () -> ()
    %dma_start3A_78 = arith.constant 0 : i32
    %dma_start3A_79 = tpu.memref_slice %arg5[%arg0, %add3A_77, %dma_start3A_78] : memref<2x10240x128xf32, #tpu.memory_space<hbm>> -> memref<1x40x128xf32, #tpu.memory_space<hbm>>
    %dma_start3A_80 = tpu.memref_squeeze %dma_start3A_79 : memref<1x40x128xf32, #tpu.memory_space<hbm>> -> memref<40x128xf32, #tpu.memory_space<hbm>>
    %dma_start3A_81 = arith.constant 0 : i32
    %dma_start3A_82 = tpu.memref_slice %arg5[%arg0, %add3A_77, %dma_start3A_81] : memref<2x10240x128xf32, #tpu.memory_space<hbm>> -> memref<1x40x128xf32, #tpu.memory_space<hbm>>
    %dma_start3A_83 = tpu.memref_squeeze %dma_start3A_82 : memref<1x40x128xf32, #tpu.memory_space<hbm>> -> memref<40x128xf32, #tpu.memory_space<hbm>>
    tpu.enqueue_dma source(%arg10 : memref<40x128xf32, #tpu.memory_space<vmem>>) target(%dma_start3A_83 : memref<40x128xf32, #tpu.memory_space<hbm>>) target_semaphore(%arg16 : memref<!tpu.dma_semaphore, #tpu.memory_space<semaphore_mem>>)
    %add3A_84 = arith.constant 120 : i32
    %add3A_85 = arith.addi %mul3A_8, %add3A_84 : i32
    "tpu.region"() ({
      %run_scoped3A = tpu.sem_alloc : memref<!tpu.dma_semaphore, #tpu.memory_space<semaphore_mem>>
      %dma_start3A_284 = arith.constant 0 : i32
      %dma_start3A_285 = tpu.memref_slice %arg13[%add3A_85, %dma_start3A_284] : memref<10240x128xf32, #tpu.memory_space<vmem_shared>> -> memref<40x128xf32, #tpu.memory_space<vmem_shared>>
      %dma_start3A_286 = arith.constant 0 : i32
      %dma_start3A_287 = tpu.memref_slice %arg13[%add3A_85, %dma_start3A_286] : memref<10240x128xf32, #tpu.memory_space<vmem_shared>> -> memref<40x128xf32, #tpu.memory_space<vmem_shared>>
      tpu.enqueue_dma source(%dma_start3A_287 : memref<40x128xf32, #tpu.memory_space<vmem_shared>>) target(%arg11 : memref<40x128xf32, #tpu.memory_space<vmem>>) target_semaphore(%run_scoped3A : memref<!tpu.dma_semaphore, #tpu.memory_space<semaphore_mem>>)
      %dma_wait3A_288 = arith.constant 0 : i32
      %dma_wait3A_289 = tpu.memref_slice %arg13[%add3A_85, %dma_wait3A_288] : memref<10240x128xf32, #tpu.memory_space<vmem_shared>> -> memref<40x128xf32, #tpu.memory_space<vmem_shared>>
      %dma_wait3A_290 = arith.constant 0 : i32
      %dma_wait3A_291 = tpu.memref_slice %arg13[%add3A_85, %dma_wait3A_290] : memref<10240x128xf32, #tpu.memory_space<vmem_shared>> -> memref<40x128xf32, #tpu.memory_space<vmem_shared>>
      tpu.wait_dma2 semaphore(%run_scoped3A : memref<!tpu.dma_semaphore, #tpu.memory_space<semaphore_mem>>) src(%dma_wait3A_291 : memref<40x128xf32, #tpu.memory_space<vmem_shared>>) dst(%arg11 : memref<40x128xf32, #tpu.memory_space<vmem>>)
      tpu.yield
    }) : () -> ()
    %dma_start3A_86 = arith.constant 0 : i32
    %dma_start3A_87 = tpu.memref_slice %arg5[%arg0, %add3A_85, %dma_start3A_86] : memref<2x10240x128xf32, #tpu.memory_space<hbm>> -> memref<1x40x128xf32, #tpu.memory_space<hbm>>
    %dma_start3A_88 = tpu.memref_squeeze %dma_start3A_87 : memref<1x40x128xf32, #tpu.memory_space<hbm>> -> memref<40x128xf32, #tpu.memory_space<hbm>>
    %dma_start3A_89 = arith.constant 0 : i32
    %dma_start3A_90 = tpu.memref_slice %arg5[%arg0, %add3A_85, %dma_start3A_89] : memref<2x10240x128xf32, #tpu.memory_space<hbm>> -> memref<1x40x128xf32, #tpu.memory_space<hbm>>
    %dma_start3A_91 = tpu.memref_squeeze %dma_start3A_90 : memref<1x40x128xf32, #tpu.memory_space<hbm>> -> memref<40x128xf32, #tpu.memory_space<hbm>>
    tpu.enqueue_dma source(%arg11 : memref<40x128xf32, #tpu.memory_space<vmem>>) target(%dma_start3A_91 : memref<40x128xf32, #tpu.memory_space<hbm>>) target_semaphore(%arg17 : memref<!tpu.dma_semaphore, #tpu.memory_space<semaphore_mem>>)
    %add3A_92 = arith.constant 160 : i32
    %add3A_93 = arith.addi %mul3A_8, %add3A_92 : i32
    "tpu.region"() ({
      %run_scoped3A = tpu.sem_alloc : memref<!tpu.dma_semaphore, #tpu.memory_space<semaphore_mem>>
      %dma_start3A_284 = arith.constant 0 : i32
      %dma_start3A_285 = tpu.memref_slice %arg13[%add3A_93, %dma_start3A_284] : memref<10240x128xf32, #tpu.memory_space<vmem_shared>> -> memref<40x128xf32, #tpu.memory_space<vmem_shared>>
      %dma_start3A_286 = arith.constant 0 : i32
      %dma_start3A_287 = tpu.memref_slice %arg13[%add3A_93, %dma_start3A_286] : memref<10240x128xf32, #tpu.memory_space<vmem_shared>> -> memref<40x128xf32, #tpu.memory_space<vmem_shared>>
      tpu.enqueue_dma source(%dma_start3A_287 : memref<40x128xf32, #tpu.memory_space<vmem_shared>>) target(%arg12 : memref<40x128xf32, #tpu.memory_space<vmem>>) target_semaphore(%run_scoped3A : memref<!tpu.dma_semaphore, #tpu.memory_space<semaphore_mem>>)
      %dma_wait3A_288 = arith.constant 0 : i32
      %dma_wait3A_289 = tpu.memref_slice %arg13[%add3A_93, %dma_wait3A_288] : memref<10240x128xf32, #tpu.memory_space<vmem_shared>> -> memref<40x128xf32, #tpu.memory_space<vmem_shared>>
      %dma_wait3A_290 = arith.constant 0 : i32
      %dma_wait3A_291 = tpu.memref_slice %arg13[%add3A_93, %dma_wait3A_290] : memref<10240x128xf32, #tpu.memory_space<vmem_shared>> -> memref<40x128xf32, #tpu.memory_space<vmem_shared>>
      tpu.wait_dma2 semaphore(%run_scoped3A : memref<!tpu.dma_semaphore, #tpu.memory_space<semaphore_mem>>) src(%dma_wait3A_291 : memref<40x128xf32, #tpu.memory_space<vmem_shared>>) dst(%arg12 : memref<40x128xf32, #tpu.memory_space<vmem>>)
      tpu.yield
    }) : () -> ()
    %dma_start3A_94 = arith.constant 0 : i32
    %dma_start3A_95 = tpu.memref_slice %arg5[%arg0, %add3A_93, %dma_start3A_94] : memref<2x10240x128xf32, #tpu.memory_space<hbm>> -> memref<1x40x128xf32, #tpu.memory_space<hbm>>
    %dma_start3A_96 = tpu.memref_squeeze %dma_start3A_95 : memref<1x40x128xf32, #tpu.memory_space<hbm>> -> memref<40x128xf32, #tpu.memory_space<hbm>>
    %dma_start3A_97 = arith.constant 0 : i32
    %dma_start3A_98 = tpu.memref_slice %arg5[%arg0, %add3A_93, %dma_start3A_97] : memref<2x10240x128xf32, #tpu.memory_space<hbm>> -> memref<1x40x128xf32, #tpu.memory_space<hbm>>
    %dma_start3A_99 = tpu.memref_squeeze %dma_start3A_98 : memref<1x40x128xf32, #tpu.memory_space<hbm>> -> memref<40x128xf32, #tpu.memory_space<hbm>>
    tpu.enqueue_dma source(%arg12 : memref<40x128xf32, #tpu.memory_space<vmem>>) target(%dma_start3A_99 : memref<40x128xf32, #tpu.memory_space<hbm>>) target_semaphore(%arg18 : memref<!tpu.dma_semaphore, #tpu.memory_space<semaphore_mem>>)
    %add3A_100 = arith.constant 200 : i32
    %add3A_101 = arith.addi %mul3A_8, %add3A_100 : i32
    %dma_wait3A_102 = arith.constant 0 : i32
    %dma_wait3A_103 = tpu.memref_slice %arg5[%arg0, %add3A_101, %dma_wait3A_102] : memref<2x10240x128xf32, #tpu.memory_space<hbm>> -> memref<1x40x128xf32, #tpu.memory_space<hbm>>
    %dma_wait3A_104 = tpu.memref_squeeze %dma_wait3A_103 : memref<1x40x128xf32, #tpu.memory_space<hbm>> -> memref<40x128xf32, #tpu.memory_space<hbm>>
    %dma_wait3A_105 = arith.constant 0 : i32
    %dma_wait3A_106 = tpu.memref_slice %arg5[%arg0, %add3A_101, %dma_wait3A_105] : memref<2x10240x128xf32, #tpu.memory_space<hbm>> -> memref<1x40x128xf32, #tpu.memory_space<hbm>>
    %dma_wait3A_107 = tpu.memref_squeeze %dma_wait3A_106 : memref<1x40x128xf32, #tpu.memory_space<hbm>> -> memref<40x128xf32, #tpu.memory_space<hbm>>
    tpu.wait_dma2 semaphore(%arg14 : memref<!tpu.dma_semaphore, #tpu.memory_space<semaphore_mem>>) src(%arg8 : memref<40x128xf32, #tpu.memory_space<vmem>>) dst(%dma_wait3A_107 : memref<40x128xf32, #tpu.memory_space<hbm>>)
    "tpu.region"() ({
      %run_scoped3A = tpu.sem_alloc : memref<!tpu.dma_semaphore, #tpu.memory_space<semaphore_mem>>
      %dma_start3A_284 = arith.constant 0 : i32
      %dma_start3A_285 = tpu.memref_slice %arg13[%add3A_101, %dma_start3A_284] : memref<10240x128xf32, #tpu.memory_space<vmem_shared>> -> memref<40x128xf32, #tpu.memory_space<vmem_shared>>
      %dma_start3A_286 = arith.constant 0 : i32
      %dma_start3A_287 = tpu.memref_slice %arg13[%add3A_101, %dma_start3A_286] : memref<10240x128xf32, #tpu.memory_space<vmem_shared>> -> memref<40x128xf32, #tpu.memory_space<vmem_shared>>
      tpu.enqueue_dma source(%dma_start3A_287 : memref<40x128xf32, #tpu.memory_space<vmem_shared>>) target(%arg8 : memref<40x128xf32, #tpu.memory_space<vmem>>) target_semaphore(%run_scoped3A : memref<!tpu.dma_semaphore, #tpu.memory_space<semaphore_mem>>)
      %dma_wait3A_288 = arith.constant 0 : i32
      %dma_wait3A_289 = tpu.memref_slice %arg13[%add3A_101, %dma_wait3A_288] : memref<10240x128xf32, #tpu.memory_space<vmem_shared>> -> memref<40x128xf32, #tpu.memory_space<vmem_shared>>
      %dma_wait3A_290 = arith.constant 0 : i32
      %dma_wait3A_291 = tpu.memref_slice %arg13[%add3A_101, %dma_wait3A_290] : memref<10240x128xf32, #tpu.memory_space<vmem_shared>> -> memref<40x128xf32, #tpu.memory_space<vmem_shared>>
      tpu.wait_dma2 semaphore(%run_scoped3A : memref<!tpu.dma_semaphore, #tpu.memory_space<semaphore_mem>>) src(%dma_wait3A_291 : memref<40x128xf32, #tpu.memory_space<vmem_shared>>) dst(%arg8 : memref<40x128xf32, #tpu.memory_space<vmem>>)
      tpu.yield
    }) : () -> ()
    %dma_start3A_108 = arith.constant 0 : i32
    %dma_start3A_109 = tpu.memref_slice %arg5[%arg0, %add3A_101, %dma_start3A_108] : memref<2x10240x128xf32, #tpu.memory_space<hbm>> -> memref<1x40x128xf32, #tpu.memory_space<hbm>>
    %dma_start3A_110 = tpu.memref_squeeze %dma_start3A_109 : memref<1x40x128xf32, #tpu.memory_space<hbm>> -> memref<40x128xf32, #tpu.memory_space<hbm>>
    %dma_start3A_111 = arith.constant 0 : i32
    %dma_start3A_112 = tpu.memref_slice %arg5[%arg0, %add3A_101, %dma_start3A_111] : memref<2x10240x128xf32, #tpu.memory_space<hbm>> -> memref<1x40x128xf32, #tpu.memory_space<hbm>>
    %dma_start3A_113 = tpu.memref_squeeze %dma_start3A_112 : memref<1x40x128xf32, #tpu.memory_space<hbm>> -> memref<40x128xf32, #tpu.memory_space<hbm>>
    tpu.enqueue_dma source(%arg8 : memref<40x128xf32, #tpu.memory_space<vmem>>) target(%dma_start3A_113 : memref<40x128xf32, #tpu.memory_space<hbm>>) target_semaphore(%arg14 : memref<!tpu.dma_semaphore, #tpu.memory_space<semaphore_mem>>)
    %add3A_114 = arith.constant 240 : i32
    %add3A_115 = arith.addi %mul3A_8, %add3A_114 : i32
    %dma_wait3A_116 = arith.constant 0 : i32
    %dma_wait3A_117 = tpu.memref_slice %arg5[%arg0, %add3A_115, %dma_wait3A_116] : memref<2x10240x128xf32, #tpu.memory_space<hbm>> -> memref<1x40x128xf32, #tpu.memory_space<hbm>>
    %dma_wait3A_118 = tpu.memref_squeeze %dma_wait3A_117 : memref<1x40x128xf32, #tpu.memory_space<hbm>> -> memref<40x128xf32, #tpu.memory_space<hbm>>
    %dma_wait3A_119 = arith.constant 0 : i32
    %dma_wait3A_120 = tpu.memref_slice %arg5[%arg0, %add3A_115, %dma_wait3A_119] : memref<2x10240x128xf32, #tpu.memory_space<hbm>> -> memref<1x40x128xf32, #tpu.memory_space<hbm>>
    %dma_wait3A_121 = tpu.memref_squeeze %dma_wait3A_120 : memref<1x40x128xf32, #tpu.memory_space<hbm>> -> memref<40x128xf32, #tpu.memory_space<hbm>>
    tpu.wait_dma2 semaphore(%arg15 : memref<!tpu.dma_semaphore, #tpu.memory_space<semaphore_mem>>) src(%arg9 : memref<40x128xf32, #tpu.memory_space<vmem>>) dst(%dma_wait3A_121 : memref<40x128xf32, #tpu.memory_space<hbm>>)
    "tpu.region"() ({
      %run_scoped3A = tpu.sem_alloc : memref<!tpu.dma_semaphore, #tpu.memory_space<semaphore_mem>>
      %dma_start3A_284 = arith.constant 0 : i32
      %dma_start3A_285 = tpu.memref_slice %arg13[%add3A_115, %dma_start3A_284] : memref<10240x128xf32, #tpu.memory_space<vmem_shared>> -> memref<40x128xf32, #tpu.memory_space<vmem_shared>>
      %dma_start3A_286 = arith.constant 0 : i32
      %dma_start3A_287 = tpu.memref_slice %arg13[%add3A_115, %dma_start3A_286] : memref<10240x128xf32, #tpu.memory_space<vmem_shared>> -> memref<40x128xf32, #tpu.memory_space<vmem_shared>>
      tpu.enqueue_dma source(%dma_start3A_287 : memref<40x128xf32, #tpu.memory_space<vmem_shared>>) target(%arg9 : memref<40x128xf32, #tpu.memory_space<vmem>>) target_semaphore(%run_scoped3A : memref<!tpu.dma_semaphore, #tpu.memory_space<semaphore_mem>>)
      %dma_wait3A_288 = arith.constant 0 : i32
      %dma_wait3A_289 = tpu.memref_slice %arg13[%add3A_115, %dma_wait3A_288] : memref<10240x128xf32, #tpu.memory_space<vmem_shared>> -> memref<40x128xf32, #tpu.memory_space<vmem_shared>>
      %dma_wait3A_290 = arith.constant 0 : i32
      %dma_wait3A_291 = tpu.memref_slice %arg13[%add3A_115, %dma_wait3A_290] : memref<10240x128xf32, #tpu.memory_space<vmem_shared>> -> memref<40x128xf32, #tpu.memory_space<vmem_shared>>
      tpu.wait_dma2 semaphore(%run_scoped3A : memref<!tpu.dma_semaphore, #tpu.memory_space<semaphore_mem>>) src(%dma_wait3A_291 : memref<40x128xf32, #tpu.memory_space<vmem_shared>>) dst(%arg9 : memref<40x128xf32, #tpu.memory_space<vmem>>)
      tpu.yield
    }) : () -> ()
    %dma_start3A_122 = arith.constant 0 : i32
    %dma_start3A_123 = tpu.memref_slice %arg5[%arg0, %add3A_115, %dma_start3A_122] : memref<2x10240x128xf32, #tpu.memory_space<hbm>> -> memref<1x40x128xf32, #tpu.memory_space<hbm>>
    %dma_start3A_124 = tpu.memref_squeeze %dma_start3A_123 : memref<1x40x128xf32, #tpu.memory_space<hbm>> -> memref<40x128xf32, #tpu.memory_space<hbm>>
    %dma_start3A_125 = arith.constant 0 : i32
    %dma_start3A_126 = tpu.memref_slice %arg5[%arg0, %add3A_115, %dma_start3A_125] : memref<2x10240x128xf32, #tpu.memory_space<hbm>> -> memref<1x40x128xf32, #tpu.memory_space<hbm>>
    %dma_start3A_127 = tpu.memref_squeeze %dma_start3A_126 : memref<1x40x128xf32, #tpu.memory_space<hbm>> -> memref<40x128xf32, #tpu.memory_space<hbm>>
    tpu.enqueue_dma source(%arg9 : memref<40x128xf32, #tpu.memory_space<vmem>>) target(%dma_start3A_127 : memref<40x128xf32, #tpu.memory_space<hbm>>) target_semaphore(%arg15 : memref<!tpu.dma_semaphore, #tpu.memory_space<semaphore_mem>>)
    %add3A_128 = arith.constant 280 : i32
    %add3A_129 = arith.addi %mul3A_8, %add3A_128 : i32
    %dma_wait3A_130 = arith.constant 0 : i32
    %dma_wait3A_131 = tpu.memref_slice %arg5[%arg0, %add3A_129, %dma_wait3A_130] : memref<2x10240x128xf32, #tpu.memory_space<hbm>> -> memref<1x40x128xf32, #tpu.memory_space<hbm>>
    %dma_wait3A_132 = tpu.memref_squeeze %dma_wait3A_131 : memref<1x40x128xf32, #tpu.memory_space<hbm>> -> memref<40x128xf32, #tpu.memory_space<hbm>>
    %dma_wait3A_133 = arith.constant 0 : i32
    %dma_wait3A_134 = tpu.memref_slice %arg5[%arg0, %add3A_129, %dma_wait3A_133] : memref<2x10240x128xf32, #tpu.memory_space<hbm>> -> memref<1x40x128xf32, #tpu.memory_space<hbm>>
    %dma_wait3A_135 = tpu.memref_squeeze %dma_wait3A_134 : memref<1x40x128xf32, #tpu.memory_space<hbm>> -> memref<40x128xf32, #tpu.memory_space<hbm>>
    tpu.wait_dma2 semaphore(%arg16 : memref<!tpu.dma_semaphore, #tpu.memory_space<semaphore_mem>>) src(%arg10 : memref<40x128xf32, #tpu.memory_space<vmem>>) dst(%dma_wait3A_135 : memref<40x128xf32, #tpu.memory_space<hbm>>)
    "tpu.region"() ({
      %run_scoped3A = tpu.sem_alloc : memref<!tpu.dma_semaphore, #tpu.memory_space<semaphore_mem>>
      %dma_start3A_284 = arith.constant 0 : i32
      %dma_start3A_285 = tpu.memref_slice %arg13[%add3A_129, %dma_start3A_284] : memref<10240x128xf32, #tpu.memory_space<vmem_shared>> -> memref<40x128xf32, #tpu.memory_space<vmem_shared>>
      %dma_start3A_286 = arith.constant 0 : i32
      %dma_start3A_287 = tpu.memref_slice %arg13[%add3A_129, %dma_start3A_286] : memref<10240x128xf32, #tpu.memory_space<vmem_shared>> -> memref<40x128xf32, #tpu.memory_space<vmem_shared>>
      tpu.enqueue_dma source(%dma_start3A_287 : memref<40x128xf32, #tpu.memory_space<vmem_shared>>) target(%arg10 : memref<40x128xf32, #tpu.memory_space<vmem>>) target_semaphore(%run_scoped3A : memref<!tpu.dma_semaphore, #tpu.memory_space<semaphore_mem>>)
      %dma_wait3A_288 = arith.constant 0 : i32
      %dma_wait3A_289 = tpu.memref_slice %arg13[%add3A_129, %dma_wait3A_288] : memref<10240x128xf32, #tpu.memory_space<vmem_shared>> -> memref<40x128xf32, #tpu.memory_space<vmem_shared>>
      %dma_wait3A_290 = arith.constant 0 : i32
      %dma_wait3A_291 = tpu.memref_slice %arg13[%add3A_129, %dma_wait3A_290] : memref<10240x128xf32, #tpu.memory_space<vmem_shared>> -> memref<40x128xf32, #tpu.memory_space<vmem_shared>>
      tpu.wait_dma2 semaphore(%run_scoped3A : memref<!tpu.dma_semaphore, #tpu.memory_space<semaphore_mem>>) src(%dma_wait3A_291 : memref<40x128xf32, #tpu.memory_space<vmem_shared>>) dst(%arg10 : memref<40x128xf32, #tpu.memory_space<vmem>>)
      tpu.yield
    }) : () -> ()
    %dma_start3A_136 = arith.constant 0 : i32
    %dma_start3A_137 = tpu.memref_slice %arg5[%arg0, %add3A_129, %dma_start3A_136] : memref<2x10240x128xf32, #tpu.memory_space<hbm>> -> memref<1x40x128xf32, #tpu.memory_space<hbm>>
    %dma_start3A_138 = tpu.memref_squeeze %dma_start3A_137 : memref<1x40x128xf32, #tpu.memory_space<hbm>> -> memref<40x128xf32, #tpu.memory_space<hbm>>
    %dma_start3A_139 = arith.constant 0 : i32
    %dma_start3A_140 = tpu.memref_slice %arg5[%arg0, %add3A_129, %dma_start3A_139] : memref<2x10240x128xf32, #tpu.memory_space<hbm>> -> memref<1x40x128xf32, #tpu.memory_space<hbm>>
    %dma_start3A_141 = tpu.memref_squeeze %dma_start3A_140 : memref<1x40x128xf32, #tpu.memory_space<hbm>> -> memref<40x128xf32, #tpu.memory_space<hbm>>
    tpu.enqueue_dma source(%arg10 : memref<40x128xf32, #tpu.memory_space<vmem>>) target(%dma_start3A_141 : memref<40x128xf32, #tpu.memory_space<hbm>>) target_semaphore(%arg16 : memref<!tpu.dma_semaphore, #tpu.memory_space<semaphore_mem>>)
    %add3A_142 = arith.constant 320 : i32
    %add3A_143 = arith.addi %mul3A_8, %add3A_142 : i32
    %dma_wait3A_144 = arith.constant 0 : i32
    %dma_wait3A_145 = tpu.memref_slice %arg5[%arg0, %add3A_143, %dma_wait3A_144] : memref<2x10240x128xf32, #tpu.memory_space<hbm>> -> memref<1x40x128xf32, #tpu.memory_space<hbm>>
    %dma_wait3A_146 = tpu.memref_squeeze %dma_wait3A_145 : memref<1x40x128xf32, #tpu.memory_space<hbm>> -> memref<40x128xf32, #tpu.memory_space<hbm>>
    %dma_wait3A_147 = arith.constant 0 : i32
    %dma_wait3A_148 = tpu.memref_slice %arg5[%arg0, %add3A_143, %dma_wait3A_147] : memref<2x10240x128xf32, #tpu.memory_space<hbm>> -> memref<1x40x128xf32, #tpu.memory_space<hbm>>
    %dma_wait3A_149 = tpu.memref_squeeze %dma_wait3A_148 : memref<1x40x128xf32, #tpu.memory_space<hbm>> -> memref<40x128xf32, #tpu.memory_space<hbm>>
    tpu.wait_dma2 semaphore(%arg17 : memref<!tpu.dma_semaphore, #tpu.memory_space<semaphore_mem>>) src(%arg11 : memref<40x128xf32, #tpu.memory_space<vmem>>) dst(%dma_wait3A_149 : memref<40x128xf32, #tpu.memory_space<hbm>>)
    "tpu.region"() ({
      %run_scoped3A = tpu.sem_alloc : memref<!tpu.dma_semaphore, #tpu.memory_space<semaphore_mem>>
      %dma_start3A_284 = arith.constant 0 : i32
      %dma_start3A_285 = tpu.memref_slice %arg13[%add3A_143, %dma_start3A_284] : memref<10240x128xf32, #tpu.memory_space<vmem_shared>> -> memref<40x128xf32, #tpu.memory_space<vmem_shared>>
      %dma_start3A_286 = arith.constant 0 : i32
      %dma_start3A_287 = tpu.memref_slice %arg13[%add3A_143, %dma_start3A_286] : memref<10240x128xf32, #tpu.memory_space<vmem_shared>> -> memref<40x128xf32, #tpu.memory_space<vmem_shared>>
      tpu.enqueue_dma source(%dma_start3A_287 : memref<40x128xf32, #tpu.memory_space<vmem_shared>>) target(%arg11 : memref<40x128xf32, #tpu.memory_space<vmem>>) target_semaphore(%run_scoped3A : memref<!tpu.dma_semaphore, #tpu.memory_space<semaphore_mem>>)
      %dma_wait3A_288 = arith.constant 0 : i32
      %dma_wait3A_289 = tpu.memref_slice %arg13[%add3A_143, %dma_wait3A_288] : memref<10240x128xf32, #tpu.memory_space<vmem_shared>> -> memref<40x128xf32, #tpu.memory_space<vmem_shared>>
      %dma_wait3A_290 = arith.constant 0 : i32
      %dma_wait3A_291 = tpu.memref_slice %arg13[%add3A_143, %dma_wait3A_290] : memref<10240x128xf32, #tpu.memory_space<vmem_shared>> -> memref<40x128xf32, #tpu.memory_space<vmem_shared>>
      tpu.wait_dma2 semaphore(%run_scoped3A : memref<!tpu.dma_semaphore, #tpu.memory_space<semaphore_mem>>) src(%dma_wait3A_291 : memref<40x128xf32, #tpu.memory_space<vmem_shared>>) dst(%arg11 : memref<40x128xf32, #tpu.memory_space<vmem>>)
      tpu.yield
    }) : () -> ()
    %dma_start3A_150 = arith.constant 0 : i32
    %dma_start3A_151 = tpu.memref_slice %arg5[%arg0, %add3A_143, %dma_start3A_150] : memref<2x10240x128xf32, #tpu.memory_space<hbm>> -> memref<1x40x128xf32, #tpu.memory_space<hbm>>
    %dma_start3A_152 = tpu.memref_squeeze %dma_start3A_151 : memref<1x40x128xf32, #tpu.memory_space<hbm>> -> memref<40x128xf32, #tpu.memory_space<hbm>>
    %dma_start3A_153 = arith.constant 0 : i32
    %dma_start3A_154 = tpu.memref_slice %arg5[%arg0, %add3A_143, %dma_start3A_153] : memref<2x10240x128xf32, #tpu.memory_space<hbm>> -> memref<1x40x128xf32, #tpu.memory_space<hbm>>
    %dma_start3A_155 = tpu.memref_squeeze %dma_start3A_154 : memref<1x40x128xf32, #tpu.memory_space<hbm>> -> memref<40x128xf32, #tpu.memory_space<hbm>>
    tpu.enqueue_dma source(%arg11 : memref<40x128xf32, #tpu.memory_space<vmem>>) target(%dma_start3A_155 : memref<40x128xf32, #tpu.memory_space<hbm>>) target_semaphore(%arg17 : memref<!tpu.dma_semaphore, #tpu.memory_space<semaphore_mem>>)
    %add3A_156 = arith.constant 360 : i32
    %add3A_157 = arith.addi %mul3A_8, %add3A_156 : i32
    %dma_wait3A_158 = arith.constant 0 : i32
    %dma_wait3A_159 = tpu.memref_slice %arg5[%arg0, %add3A_157, %dma_wait3A_158] : memref<2x10240x128xf32, #tpu.memory_space<hbm>> -> memref<1x40x128xf32, #tpu.memory_space<hbm>>
    %dma_wait3A_160 = tpu.memref_squeeze %dma_wait3A_159 : memref<1x40x128xf32, #tpu.memory_space<hbm>> -> memref<40x128xf32, #tpu.memory_space<hbm>>
    %dma_wait3A_161 = arith.constant 0 : i32
    %dma_wait3A_162 = tpu.memref_slice %arg5[%arg0, %add3A_157, %dma_wait3A_161] : memref<2x10240x128xf32, #tpu.memory_space<hbm>> -> memref<1x40x128xf32, #tpu.memory_space<hbm>>
    %dma_wait3A_163 = tpu.memref_squeeze %dma_wait3A_162 : memref<1x40x128xf32, #tpu.memory_space<hbm>> -> memref<40x128xf32, #tpu.memory_space<hbm>>
    tpu.wait_dma2 semaphore(%arg18 : memref<!tpu.dma_semaphore, #tpu.memory_space<semaphore_mem>>) src(%arg12 : memref<40x128xf32, #tpu.memory_space<vmem>>) dst(%dma_wait3A_163 : memref<40x128xf32, #tpu.memory_space<hbm>>)
    "tpu.region"() ({
      %run_scoped3A = tpu.sem_alloc : memref<!tpu.dma_semaphore, #tpu.memory_space<semaphore_mem>>
      %dma_start3A_284 = arith.constant 0 : i32
      %dma_start3A_285 = tpu.memref_slice %arg13[%add3A_157, %dma_start3A_284] : memref<10240x128xf32, #tpu.memory_space<vmem_shared>> -> memref<40x128xf32, #tpu.memory_space<vmem_shared>>
      %dma_start3A_286 = arith.constant 0 : i32
      %dma_start3A_287 = tpu.memref_slice %arg13[%add3A_157, %dma_start3A_286] : memref<10240x128xf32, #tpu.memory_space<vmem_shared>> -> memref<40x128xf32, #tpu.memory_space<vmem_shared>>
      tpu.enqueue_dma source(%dma_start3A_287 : memref<40x128xf32, #tpu.memory_space<vmem_shared>>) target(%arg12 : memref<40x128xf32, #tpu.memory_space<vmem>>) target_semaphore(%run_scoped3A : memref<!tpu.dma_semaphore, #tpu.memory_space<semaphore_mem>>)
      %dma_wait3A_288 = arith.constant 0 : i32
      %dma_wait3A_289 = tpu.memref_slice %arg13[%add3A_157, %dma_wait3A_288] : memref<10240x128xf32, #tpu.memory_space<vmem_shared>> -> memref<40x128xf32, #tpu.memory_space<vmem_shared>>
      %dma_wait3A_290 = arith.constant 0 : i32
      %dma_wait3A_291 = tpu.memref_slice %arg13[%add3A_157, %dma_wait3A_290] : memref<10240x128xf32, #tpu.memory_space<vmem_shared>> -> memref<40x128xf32, #tpu.memory_space<vmem_shared>>
      tpu.wait_dma2 semaphore(%run_scoped3A : memref<!tpu.dma_semaphore, #tpu.memory_space<semaphore_mem>>) src(%dma_wait3A_291 : memref<40x128xf32, #tpu.memory_space<vmem_shared>>) dst(%arg12 : memref<40x128xf32, #tpu.memory_space<vmem>>)
      tpu.yield
    }) : () -> ()
    %dma_start3A_164 = arith.constant 0 : i32
    %dma_start3A_165 = tpu.memref_slice %arg5[%arg0, %add3A_157, %dma_start3A_164] : memref<2x10240x128xf32, #tpu.memory_space<hbm>> -> memref<1x40x128xf32, #tpu.memory_space<hbm>>
    %dma_start3A_166 = tpu.memref_squeeze %dma_start3A_165 : memref<1x40x128xf32, #tpu.memory_space<hbm>> -> memref<40x128xf32, #tpu.memory_space<hbm>>
    %dma_start3A_167 = arith.constant 0 : i32
    %dma_start3A_168 = tpu.memref_slice %arg5[%arg0, %add3A_157, %dma_start3A_167] : memref<2x10240x128xf32, #tpu.memory_space<hbm>> -> memref<1x40x128xf32, #tpu.memory_space<hbm>>
    %dma_start3A_169 = tpu.memref_squeeze %dma_start3A_168 : memref<1x40x128xf32, #tpu.memory_space<hbm>> -> memref<40x128xf32, #tpu.memory_space<hbm>>
    tpu.enqueue_dma source(%arg12 : memref<40x128xf32, #tpu.memory_space<vmem>>) target(%dma_start3A_169 : memref<40x128xf32, #tpu.memory_space<hbm>>) target_semaphore(%arg18 : memref<!tpu.dma_semaphore, #tpu.memory_space<semaphore_mem>>)
    %add3A_170 = arith.constant 400 : i32
    %add3A_171 = arith.addi %mul3A_8, %add3A_170 : i32
    %dma_wait3A_172 = arith.constant 0 : i32
    %dma_wait3A_173 = tpu.memref_slice %arg5[%arg0, %add3A_171, %dma_wait3A_172] : memref<2x10240x128xf32, #tpu.memory_space<hbm>> -> memref<1x40x128xf32, #tpu.memory_space<hbm>>
    %dma_wait3A_174 = tpu.memref_squeeze %dma_wait3A_173 : memref<1x40x128xf32, #tpu.memory_space<hbm>> -> memref<40x128xf32, #tpu.memory_space<hbm>>
    %dma_wait3A_175 = arith.constant 0 : i32
    %dma_wait3A_176 = tpu.memref_slice %arg5[%arg0, %add3A_171, %dma_wait3A_175] : memref<2x10240x128xf32, #tpu.memory_space<hbm>> -> memref<1x40x128xf32, #tpu.memory_space<hbm>>
    %dma_wait3A_177 = tpu.memref_squeeze %dma_wait3A_176 : memref<1x40x128xf32, #tpu.memory_space<hbm>> -> memref<40x128xf32, #tpu.memory_space<hbm>>
    tpu.wait_dma2 semaphore(%arg14 : memref<!tpu.dma_semaphore, #tpu.memory_space<semaphore_mem>>) src(%arg8 : memref<40x128xf32, #tpu.memory_space<vmem>>) dst(%dma_wait3A_177 : memref<40x128xf32, #tpu.memory_space<hbm>>)
    "tpu.region"() ({
      %run_scoped3A = tpu.sem_alloc : memref<!tpu.dma_semaphore, #tpu.memory_space<semaphore_mem>>
      %dma_start3A_284 = arith.constant 0 : i32
      %dma_start3A_285 = tpu.memref_slice %arg13[%add3A_171, %dma_start3A_284] : memref<10240x128xf32, #tpu.memory_space<vmem_shared>> -> memref<40x128xf32, #tpu.memory_space<vmem_shared>>
      %dma_start3A_286 = arith.constant 0 : i32
      %dma_start3A_287 = tpu.memref_slice %arg13[%add3A_171, %dma_start3A_286] : memref<10240x128xf32, #tpu.memory_space<vmem_shared>> -> memref<40x128xf32, #tpu.memory_space<vmem_shared>>
      tpu.enqueue_dma source(%dma_start3A_287 : memref<40x128xf32, #tpu.memory_space<vmem_shared>>) target(%arg8 : memref<40x128xf32, #tpu.memory_space<vmem>>) target_semaphore(%run_scoped3A : memref<!tpu.dma_semaphore, #tpu.memory_space<semaphore_mem>>)
      %dma_wait3A_288 = arith.constant 0 : i32
      %dma_wait3A_289 = tpu.memref_slice %arg13[%add3A_171, %dma_wait3A_288] : memref<10240x128xf32, #tpu.memory_space<vmem_shared>> -> memref<40x128xf32, #tpu.memory_space<vmem_shared>>
      %dma_wait3A_290 = arith.constant 0 : i32
      %dma_wait3A_291 = tpu.memref_slice %arg13[%add3A_171, %dma_wait3A_290] : memref<10240x128xf32, #tpu.memory_space<vmem_shared>> -> memref<40x128xf32, #tpu.memory_space<vmem_shared>>
      tpu.wait_dma2 semaphore(%run_scoped3A : memref<!tpu.dma_semaphore, #tpu.memory_space<semaphore_mem>>) src(%dma_wait3A_291 : memref<40x128xf32, #tpu.memory_space<vmem_shared>>) dst(%arg8 : memref<40x128xf32, #tpu.memory_space<vmem>>)
      tpu.yield
    }) : () -> ()
    %dma_start3A_178 = arith.constant 0 : i32
    %dma_start3A_179 = tpu.memref_slice %arg5[%arg0, %add3A_171, %dma_start3A_178] : memref<2x10240x128xf32, #tpu.memory_space<hbm>> -> memref<1x40x128xf32, #tpu.memory_space<hbm>>
    %dma_start3A_180 = tpu.memref_squeeze %dma_start3A_179 : memref<1x40x128xf32, #tpu.memory_space<hbm>> -> memref<40x128xf32, #tpu.memory_space<hbm>>
    %dma_start3A_181 = arith.constant 0 : i32
    %dma_start3A_182 = tpu.memref_slice %arg5[%arg0, %add3A_171, %dma_start3A_181] : memref<2x10240x128xf32, #tpu.memory_space<hbm>> -> memref<1x40x128xf32, #tpu.memory_space<hbm>>
    %dma_start3A_183 = tpu.memref_squeeze %dma_start3A_182 : memref<1x40x128xf32, #tpu.memory_space<hbm>> -> memref<40x128xf32, #tpu.memory_space<hbm>>
    tpu.enqueue_dma source(%arg8 : memref<40x128xf32, #tpu.memory_space<vmem>>) target(%dma_start3A_183 : memref<40x128xf32, #tpu.memory_space<hbm>>) target_semaphore(%arg14 : memref<!tpu.dma_semaphore, #tpu.memory_space<semaphore_mem>>)
    %add3A_184 = arith.constant 440 : i32
    %add3A_185 = arith.addi %mul3A_8, %add3A_184 : i32
    %dma_wait3A_186 = arith.constant 0 : i32
    %dma_wait3A_187 = tpu.memref_slice %arg5[%arg0, %add3A_185, %dma_wait3A_186] : memref<2x10240x128xf32, #tpu.memory_space<hbm>> -> memref<1x40x128xf32, #tpu.memory_space<hbm>>
    %dma_wait3A_188 = tpu.memref_squeeze %dma_wait3A_187 : memref<1x40x128xf32, #tpu.memory_space<hbm>> -> memref<40x128xf32, #tpu.memory_space<hbm>>
    %dma_wait3A_189 = arith.constant 0 : i32
    %dma_wait3A_190 = tpu.memref_slice %arg5[%arg0, %add3A_185, %dma_wait3A_189] : memref<2x10240x128xf32, #tpu.memory_space<hbm>> -> memref<1x40x128xf32, #tpu.memory_space<hbm>>
    %dma_wait3A_191 = tpu.memref_squeeze %dma_wait3A_190 : memref<1x40x128xf32, #tpu.memory_space<hbm>> -> memref<40x128xf32, #tpu.memory_space<hbm>>
    tpu.wait_dma2 semaphore(%arg15 : memref<!tpu.dma_semaphore, #tpu.memory_space<semaphore_mem>>) src(%arg9 : memref<40x128xf32, #tpu.memory_space<vmem>>) dst(%dma_wait3A_191 : memref<40x128xf32, #tpu.memory_space<hbm>>)
    "tpu.region"() ({
      %run_scoped3A = tpu.sem_alloc : memref<!tpu.dma_semaphore, #tpu.memory_space<semaphore_mem>>
      %dma_start3A_284 = arith.constant 0 : i32
      %dma_start3A_285 = tpu.memref_slice %arg13[%add3A_185, %dma_start3A_284] : memref<10240x128xf32, #tpu.memory_space<vmem_shared>> -> memref<40x128xf32, #tpu.memory_space<vmem_shared>>
      %dma_start3A_286 = arith.constant 0 : i32
      %dma_start3A_287 = tpu.memref_slice %arg13[%add3A_185, %dma_start3A_286] : memref<10240x128xf32, #tpu.memory_space<vmem_shared>> -> memref<40x128xf32, #tpu.memory_space<vmem_shared>>
      tpu.enqueue_dma source(%dma_start3A_287 : memref<40x128xf32, #tpu.memory_space<vmem_shared>>) target(%arg9 : memref<40x128xf32, #tpu.memory_space<vmem>>) target_semaphore(%run_scoped3A : memref<!tpu.dma_semaphore, #tpu.memory_space<semaphore_mem>>)
      %dma_wait3A_288 = arith.constant 0 : i32
      %dma_wait3A_289 = tpu.memref_slice %arg13[%add3A_185, %dma_wait3A_288] : memref<10240x128xf32, #tpu.memory_space<vmem_shared>> -> memref<40x128xf32, #tpu.memory_space<vmem_shared>>
      %dma_wait3A_290 = arith.constant 0 : i32
      %dma_wait3A_291 = tpu.memref_slice %arg13[%add3A_185, %dma_wait3A_290] : memref<10240x128xf32, #tpu.memory_space<vmem_shared>> -> memref<40x128xf32, #tpu.memory_space<vmem_shared>>
      tpu.wait_dma2 semaphore(%run_scoped3A : memref<!tpu.dma_semaphore, #tpu.memory_space<semaphore_mem>>) src(%dma_wait3A_291 : memref<40x128xf32, #tpu.memory_space<vmem_shared>>) dst(%arg9 : memref<40x128xf32, #tpu.memory_space<vmem>>)
      tpu.yield
    }) : () -> ()
    %dma_start3A_192 = arith.constant 0 : i32
    %dma_start3A_193 = tpu.memref_slice %arg5[%arg0, %add3A_185, %dma_start3A_192] : memref<2x10240x128xf32, #tpu.memory_space<hbm>> -> memref<1x40x128xf32, #tpu.memory_space<hbm>>
    %dma_start3A_194 = tpu.memref_squeeze %dma_start3A_193 : memref<1x40x128xf32, #tpu.memory_space<hbm>> -> memref<40x128xf32, #tpu.memory_space<hbm>>
    %dma_start3A_195 = arith.constant 0 : i32
    %dma_start3A_196 = tpu.memref_slice %arg5[%arg0, %add3A_185, %dma_start3A_195] : memref<2x10240x128xf32, #tpu.memory_space<hbm>> -> memref<1x40x128xf32, #tpu.memory_space<hbm>>
    %dma_start3A_197 = tpu.memref_squeeze %dma_start3A_196 : memref<1x40x128xf32, #tpu.memory_space<hbm>> -> memref<40x128xf32, #tpu.memory_space<hbm>>
    tpu.enqueue_dma source(%arg9 : memref<40x128xf32, #tpu.memory_space<vmem>>) target(%dma_start3A_197 : memref<40x128xf32, #tpu.memory_space<hbm>>) target_semaphore(%arg15 : memref<!tpu.dma_semaphore, #tpu.memory_space<semaphore_mem>>)
    %add3A_198 = arith.constant 480 : i32
    %add3A_199 = arith.addi %mul3A_8, %add3A_198 : i32
    %dma_wait3A_200 = arith.constant 0 : i32
    %dma_wait3A_201 = tpu.memref_slice %arg5[%arg0, %add3A_199, %dma_wait3A_200] : memref<2x10240x128xf32, #tpu.memory_space<hbm>> -> memref<1x40x128xf32, #tpu.memory_space<hbm>>
    %dma_wait3A_202 = tpu.memref_squeeze %dma_wait3A_201 : memref<1x40x128xf32, #tpu.memory_space<hbm>> -> memref<40x128xf32, #tpu.memory_space<hbm>>
    %dma_wait3A_203 = arith.constant 0 : i32
    %dma_wait3A_204 = tpu.memref_slice %arg5[%arg0, %add3A_199, %dma_wait3A_203] : memref<2x10240x128xf32, #tpu.memory_space<hbm>> -> memref<1x40x128xf32, #tpu.memory_space<hbm>>
    %dma_wait3A_205 = tpu.memref_squeeze %dma_wait3A_204 : memref<1x40x128xf32, #tpu.memory_space<hbm>> -> memref<40x128xf32, #tpu.memory_space<hbm>>
    tpu.wait_dma2 semaphore(%arg16 : memref<!tpu.dma_semaphore, #tpu.memory_space<semaphore_mem>>) src(%arg10 : memref<40x128xf32, #tpu.memory_space<vmem>>) dst(%dma_wait3A_205 : memref<40x128xf32, #tpu.memory_space<hbm>>)
    "tpu.region"() ({
      %run_scoped3A = tpu.sem_alloc : memref<!tpu.dma_semaphore, #tpu.memory_space<semaphore_mem>>
      %dma_start3A_284 = arith.constant 0 : i32
      %dma_start3A_285 = tpu.memref_slice %arg13[%add3A_199, %dma_start3A_284] : memref<10240x128xf32, #tpu.memory_space<vmem_shared>> -> memref<40x128xf32, #tpu.memory_space<vmem_shared>>
      %dma_start3A_286 = arith.constant 0 : i32
      %dma_start3A_287 = tpu.memref_slice %arg13[%add3A_199, %dma_start3A_286] : memref<10240x128xf32, #tpu.memory_space<vmem_shared>> -> memref<40x128xf32, #tpu.memory_space<vmem_shared>>
      tpu.enqueue_dma source(%dma_start3A_287 : memref<40x128xf32, #tpu.memory_space<vmem_shared>>) target(%arg10 : memref<40x128xf32, #tpu.memory_space<vmem>>) target_semaphore(%run_scoped3A : memref<!tpu.dma_semaphore, #tpu.memory_space<semaphore_mem>>)
      %dma_wait3A_288 = arith.constant 0 : i32
      %dma_wait3A_289 = tpu.memref_slice %arg13[%add3A_199, %dma_wait3A_288] : memref<10240x128xf32, #tpu.memory_space<vmem_shared>> -> memref<40x128xf32, #tpu.memory_space<vmem_shared>>
      %dma_wait3A_290 = arith.constant 0 : i32
      %dma_wait3A_291 = tpu.memref_slice %arg13[%add3A_199, %dma_wait3A_290] : memref<10240x128xf32, #tpu.memory_space<vmem_shared>> -> memref<40x128xf32, #tpu.memory_space<vmem_shared>>
      tpu.wait_dma2 semaphore(%run_scoped3A : memref<!tpu.dma_semaphore, #tpu.memory_space<semaphore_mem>>) src(%dma_wait3A_291 : memref<40x128xf32, #tpu.memory_space<vmem_shared>>) dst(%arg10 : memref<40x128xf32, #tpu.memory_space<vmem>>)
      tpu.yield
    }) : () -> ()
    %dma_start3A_206 = arith.constant 0 : i32
    %dma_start3A_207 = tpu.memref_slice %arg5[%arg0, %add3A_199, %dma_start3A_206] : memref<2x10240x128xf32, #tpu.memory_space<hbm>> -> memref<1x40x128xf32, #tpu.memory_space<hbm>>
    %dma_start3A_208 = tpu.memref_squeeze %dma_start3A_207 : memref<1x40x128xf32, #tpu.memory_space<hbm>> -> memref<40x128xf32, #tpu.memory_space<hbm>>
    %dma_start3A_209 = arith.constant 0 : i32
    %dma_start3A_210 = tpu.memref_slice %arg5[%arg0, %add3A_199, %dma_start3A_209] : memref<2x10240x128xf32, #tpu.memory_space<hbm>> -> memref<1x40x128xf32, #tpu.memory_space<hbm>>
    %dma_start3A_211 = tpu.memref_squeeze %dma_start3A_210 : memref<1x40x128xf32, #tpu.memory_space<hbm>> -> memref<40x128xf32, #tpu.memory_space<hbm>>
    tpu.enqueue_dma source(%arg10 : memref<40x128xf32, #tpu.memory_space<vmem>>) target(%dma_start3A_211 : memref<40x128xf32, #tpu.memory_space<hbm>>) target_semaphore(%arg16 : memref<!tpu.dma_semaphore, #tpu.memory_space<semaphore_mem>>)
    %add3A_212 = arith.constant 520 : i32
    %add3A_213 = arith.addi %mul3A_8, %add3A_212 : i32
    %dma_wait3A_214 = arith.constant 0 : i32
    %dma_wait3A_215 = tpu.memref_slice %arg5[%arg0, %add3A_213, %dma_wait3A_214] : memref<2x10240x128xf32, #tpu.memory_space<hbm>> -> memref<1x40x128xf32, #tpu.memory_space<hbm>>
    %dma_wait3A_216 = tpu.memref_squeeze %dma_wait3A_215 : memref<1x40x128xf32, #tpu.memory_space<hbm>> -> memref<40x128xf32, #tpu.memory_space<hbm>>
    %dma_wait3A_217 = arith.constant 0 : i32
    %dma_wait3A_218 = tpu.memref_slice %arg5[%arg0, %add3A_213, %dma_wait3A_217] : memref<2x10240x128xf32, #tpu.memory_space<hbm>> -> memref<1x40x128xf32, #tpu.memory_space<hbm>>
    %dma_wait3A_219 = tpu.memref_squeeze %dma_wait3A_218 : memref<1x40x128xf32, #tpu.memory_space<hbm>> -> memref<40x128xf32, #tpu.memory_space<hbm>>
    tpu.wait_dma2 semaphore(%arg17 : memref<!tpu.dma_semaphore, #tpu.memory_space<semaphore_mem>>) src(%arg11 : memref<40x128xf32, #tpu.memory_space<vmem>>) dst(%dma_wait3A_219 : memref<40x128xf32, #tpu.memory_space<hbm>>)
    "tpu.region"() ({
      %run_scoped3A = tpu.sem_alloc : memref<!tpu.dma_semaphore, #tpu.memory_space<semaphore_mem>>
      %dma_start3A_284 = arith.constant 0 : i32
      %dma_start3A_285 = tpu.memref_slice %arg13[%add3A_213, %dma_start3A_284] : memref<10240x128xf32, #tpu.memory_space<vmem_shared>> -> memref<40x128xf32, #tpu.memory_space<vmem_shared>>
      %dma_start3A_286 = arith.constant 0 : i32
      %dma_start3A_287 = tpu.memref_slice %arg13[%add3A_213, %dma_start3A_286] : memref<10240x128xf32, #tpu.memory_space<vmem_shared>> -> memref<40x128xf32, #tpu.memory_space<vmem_shared>>
      tpu.enqueue_dma source(%dma_start3A_287 : memref<40x128xf32, #tpu.memory_space<vmem_shared>>) target(%arg11 : memref<40x128xf32, #tpu.memory_space<vmem>>) target_semaphore(%run_scoped3A : memref<!tpu.dma_semaphore, #tpu.memory_space<semaphore_mem>>)
      %dma_wait3A_288 = arith.constant 0 : i32
      %dma_wait3A_289 = tpu.memref_slice %arg13[%add3A_213, %dma_wait3A_288] : memref<10240x128xf32, #tpu.memory_space<vmem_shared>> -> memref<40x128xf32, #tpu.memory_space<vmem_shared>>
      %dma_wait3A_290 = arith.constant 0 : i32
      %dma_wait3A_291 = tpu.memref_slice %arg13[%add3A_213, %dma_wait3A_290] : memref<10240x128xf32, #tpu.memory_space<vmem_shared>> -> memref<40x128xf32, #tpu.memory_space<vmem_shared>>
      tpu.wait_dma2 semaphore(%run_scoped3A : memref<!tpu.dma_semaphore, #tpu.memory_space<semaphore_mem>>) src(%dma_wait3A_291 : memref<40x128xf32, #tpu.memory_space<vmem_shared>>) dst(%arg11 : memref<40x128xf32, #tpu.memory_space<vmem>>)
      tpu.yield
    }) : () -> ()
    %dma_start3A_220 = arith.constant 0 : i32
    %dma_start3A_221 = tpu.memref_slice %arg5[%arg0, %add3A_213, %dma_start3A_220] : memref<2x10240x128xf32, #tpu.memory_space<hbm>> -> memref<1x40x128xf32, #tpu.memory_space<hbm>>
    %dma_start3A_222 = tpu.memref_squeeze %dma_start3A_221 : memref<1x40x128xf32, #tpu.memory_space<hbm>> -> memref<40x128xf32, #tpu.memory_space<hbm>>
    %dma_start3A_223 = arith.constant 0 : i32
    %dma_start3A_224 = tpu.memref_slice %arg5[%arg0, %add3A_213, %dma_start3A_223] : memref<2x10240x128xf32, #tpu.memory_space<hbm>> -> memref<1x40x128xf32, #tpu.memory_space<hbm>>
    %dma_start3A_225 = tpu.memref_squeeze %dma_start3A_224 : memref<1x40x128xf32, #tpu.memory_space<hbm>> -> memref<40x128xf32, #tpu.memory_space<hbm>>
    tpu.enqueue_dma source(%arg11 : memref<40x128xf32, #tpu.memory_space<vmem>>) target(%dma_start3A_225 : memref<40x128xf32, #tpu.memory_space<hbm>>) target_semaphore(%arg17 : memref<!tpu.dma_semaphore, #tpu.memory_space<semaphore_mem>>)
    %add3A_226 = arith.constant 560 : i32
    %add3A_227 = arith.addi %mul3A_8, %add3A_226 : i32
    %dma_wait3A_228 = arith.constant 0 : i32
    %dma_wait3A_229 = tpu.memref_slice %arg5[%arg0, %add3A_227, %dma_wait3A_228] : memref<2x10240x128xf32, #tpu.memory_space<hbm>> -> memref<1x40x128xf32, #tpu.memory_space<hbm>>
    %dma_wait3A_230 = tpu.memref_squeeze %dma_wait3A_229 : memref<1x40x128xf32, #tpu.memory_space<hbm>> -> memref<40x128xf32, #tpu.memory_space<hbm>>
    %dma_wait3A_231 = arith.constant 0 : i32
    %dma_wait3A_232 = tpu.memref_slice %arg5[%arg0, %add3A_227, %dma_wait3A_231] : memref<2x10240x128xf32, #tpu.memory_space<hbm>> -> memref<1x40x128xf32, #tpu.memory_space<hbm>>
    %dma_wait3A_233 = tpu.memref_squeeze %dma_wait3A_232 : memref<1x40x128xf32, #tpu.memory_space<hbm>> -> memref<40x128xf32, #tpu.memory_space<hbm>>
    tpu.wait_dma2 semaphore(%arg18 : memref<!tpu.dma_semaphore, #tpu.memory_space<semaphore_mem>>) src(%arg12 : memref<40x128xf32, #tpu.memory_space<vmem>>) dst(%dma_wait3A_233 : memref<40x128xf32, #tpu.memory_space<hbm>>)
    "tpu.region"() ({
      %run_scoped3A = tpu.sem_alloc : memref<!tpu.dma_semaphore, #tpu.memory_space<semaphore_mem>>
      %dma_start3A_284 = arith.constant 0 : i32
      %dma_start3A_285 = tpu.memref_slice %arg13[%add3A_227, %dma_start3A_284] : memref<10240x128xf32, #tpu.memory_space<vmem_shared>> -> memref<40x128xf32, #tpu.memory_space<vmem_shared>>
      %dma_start3A_286 = arith.constant 0 : i32
      %dma_start3A_287 = tpu.memref_slice %arg13[%add3A_227, %dma_start3A_286] : memref<10240x128xf32, #tpu.memory_space<vmem_shared>> -> memref<40x128xf32, #tpu.memory_space<vmem_shared>>
      tpu.enqueue_dma source(%dma_start3A_287 : memref<40x128xf32, #tpu.memory_space<vmem_shared>>) target(%arg12 : memref<40x128xf32, #tpu.memory_space<vmem>>) target_semaphore(%run_scoped3A : memref<!tpu.dma_semaphore, #tpu.memory_space<semaphore_mem>>)
      %dma_wait3A_288 = arith.constant 0 : i32
      %dma_wait3A_289 = tpu.memref_slice %arg13[%add3A_227, %dma_wait3A_288] : memref<10240x128xf32, #tpu.memory_space<vmem_shared>> -> memref<40x128xf32, #tpu.memory_space<vmem_shared>>
      %dma_wait3A_290 = arith.constant 0 : i32
      %dma_wait3A_291 = tpu.memref_slice %arg13[%add3A_227, %dma_wait3A_290] : memref<10240x128xf32, #tpu.memory_space<vmem_shared>> -> memref<40x128xf32, #tpu.memory_space<vmem_shared>>
      tpu.wait_dma2 semaphore(%run_scoped3A : memref<!tpu.dma_semaphore, #tpu.memory_space<semaphore_mem>>) src(%dma_wait3A_291 : memref<40x128xf32, #tpu.memory_space<vmem_shared>>) dst(%arg12 : memref<40x128xf32, #tpu.memory_space<vmem>>)
      tpu.yield
    }) : () -> ()
    %dma_start3A_234 = arith.constant 0 : i32
    %dma_start3A_235 = tpu.memref_slice %arg5[%arg0, %add3A_227, %dma_start3A_234] : memref<2x10240x128xf32, #tpu.memory_space<hbm>> -> memref<1x40x128xf32, #tpu.memory_space<hbm>>
    %dma_start3A_236 = tpu.memref_squeeze %dma_start3A_235 : memref<1x40x128xf32, #tpu.memory_space<hbm>> -> memref<40x128xf32, #tpu.memory_space<hbm>>
    %dma_start3A_237 = arith.constant 0 : i32
    %dma_start3A_238 = tpu.memref_slice %arg5[%arg0, %add3A_227, %dma_start3A_237] : memref<2x10240x128xf32, #tpu.memory_space<hbm>> -> memref<1x40x128xf32, #tpu.memory_space<hbm>>
    %dma_start3A_239 = tpu.memref_squeeze %dma_start3A_238 : memref<1x40x128xf32, #tpu.memory_space<hbm>> -> memref<40x128xf32, #tpu.memory_space<hbm>>
    tpu.enqueue_dma source(%arg12 : memref<40x128xf32, #tpu.memory_space<vmem>>) target(%dma_start3A_239 : memref<40x128xf32, #tpu.memory_space<hbm>>) target_semaphore(%arg18 : memref<!tpu.dma_semaphore, #tpu.memory_space<semaphore_mem>>)
    %add3A_240 = arith.constant 600 : i32
    %add3A_241 = arith.addi %mul3A_8, %add3A_240 : i32
    %dma_wait3A_242 = arith.constant 0 : i32
    %dma_wait3A_243 = tpu.memref_slice %arg5[%arg0, %add3A_241, %dma_wait3A_242] : memref<2x10240x128xf32, #tpu.memory_space<hbm>> -> memref<1x40x128xf32, #tpu.memory_space<hbm>>
    %dma_wait3A_244 = tpu.memref_squeeze %dma_wait3A_243 : memref<1x40x128xf32, #tpu.memory_space<hbm>> -> memref<40x128xf32, #tpu.memory_space<hbm>>
    %dma_wait3A_245 = arith.constant 0 : i32
    %dma_wait3A_246 = tpu.memref_slice %arg5[%arg0, %add3A_241, %dma_wait3A_245] : memref<2x10240x128xf32, #tpu.memory_space<hbm>> -> memref<1x40x128xf32, #tpu.memory_space<hbm>>
    %dma_wait3A_247 = tpu.memref_squeeze %dma_wait3A_246 : memref<1x40x128xf32, #tpu.memory_space<hbm>> -> memref<40x128xf32, #tpu.memory_space<hbm>>
    tpu.wait_dma2 semaphore(%arg14 : memref<!tpu.dma_semaphore, #tpu.memory_space<semaphore_mem>>) src(%arg8 : memref<40x128xf32, #tpu.memory_space<vmem>>) dst(%dma_wait3A_247 : memref<40x128xf32, #tpu.memory_space<hbm>>)
    "tpu.region"() ({
      %run_scoped3A = tpu.sem_alloc : memref<!tpu.dma_semaphore, #tpu.memory_space<semaphore_mem>>
      %dma_start3A_284 = arith.constant 0 : i32
      %dma_start3A_285 = tpu.memref_slice %arg13[%add3A_241, %dma_start3A_284] : memref<10240x128xf32, #tpu.memory_space<vmem_shared>> -> memref<40x128xf32, #tpu.memory_space<vmem_shared>>
      %dma_start3A_286 = arith.constant 0 : i32
      %dma_start3A_287 = tpu.memref_slice %arg13[%add3A_241, %dma_start3A_286] : memref<10240x128xf32, #tpu.memory_space<vmem_shared>> -> memref<40x128xf32, #tpu.memory_space<vmem_shared>>
      tpu.enqueue_dma source(%dma_start3A_287 : memref<40x128xf32, #tpu.memory_space<vmem_shared>>) target(%arg8 : memref<40x128xf32, #tpu.memory_space<vmem>>) target_semaphore(%run_scoped3A : memref<!tpu.dma_semaphore, #tpu.memory_space<semaphore_mem>>)
      %dma_wait3A_288 = arith.constant 0 : i32
      %dma_wait3A_289 = tpu.memref_slice %arg13[%add3A_241, %dma_wait3A_288] : memref<10240x128xf32, #tpu.memory_space<vmem_shared>> -> memref<40x128xf32, #tpu.memory_space<vmem_shared>>
      %dma_wait3A_290 = arith.constant 0 : i32
      %dma_wait3A_291 = tpu.memref_slice %arg13[%add3A_241, %dma_wait3A_290] : memref<10240x128xf32, #tpu.memory_space<vmem_shared>> -> memref<40x128xf32, #tpu.memory_space<vmem_shared>>
      tpu.wait_dma2 semaphore(%run_scoped3A : memref<!tpu.dma_semaphore, #tpu.memory_space<semaphore_mem>>) src(%dma_wait3A_291 : memref<40x128xf32, #tpu.memory_space<vmem_shared>>) dst(%arg8 : memref<40x128xf32, #tpu.memory_space<vmem>>)
      tpu.yield
    }) : () -> ()
    %dma_start3A_248 = arith.constant 0 : i32
    %dma_start3A_249 = tpu.memref_slice %arg5[%arg0, %add3A_241, %dma_start3A_248] : memref<2x10240x128xf32, #tpu.memory_space<hbm>> -> memref<1x40x128xf32, #tpu.memory_space<hbm>>
    %dma_start3A_250 = tpu.memref_squeeze %dma_start3A_249 : memref<1x40x128xf32, #tpu.memory_space<hbm>> -> memref<40x128xf32, #tpu.memory_space<hbm>>
    %dma_start3A_251 = arith.constant 0 : i32
    %dma_start3A_252 = tpu.memref_slice %arg5[%arg0, %add3A_241, %dma_start3A_251] : memref<2x10240x128xf32, #tpu.memory_space<hbm>> -> memref<1x40x128xf32, #tpu.memory_space<hbm>>
    %dma_start3A_253 = tpu.memref_squeeze %dma_start3A_252 : memref<1x40x128xf32, #tpu.memory_space<hbm>> -> memref<40x128xf32, #tpu.memory_space<hbm>>
    tpu.enqueue_dma source(%arg8 : memref<40x128xf32, #tpu.memory_space<vmem>>) target(%dma_start3A_253 : memref<40x128xf32, #tpu.memory_space<hbm>>) target_semaphore(%arg14 : memref<!tpu.dma_semaphore, #tpu.memory_space<semaphore_mem>>)
    %dma_wait3A_254 = arith.constant 0 : i32
    %dma_wait3A_255 = tpu.memref_slice %arg5[%arg0, %mul3A_8, %dma_wait3A_254] : memref<2x10240x128xf32, #tpu.memory_space<hbm>> -> memref<1x40x128xf32, #tpu.memory_space<hbm>>
    %dma_wait3A_256 = tpu.memref_squeeze %dma_wait3A_255 : memref<1x40x128xf32, #tpu.memory_space<hbm>> -> memref<40x128xf32, #tpu.memory_space<hbm>>
    %dma_wait3A_257 = arith.constant 0 : i32
    %dma_wait3A_258 = tpu.memref_slice %arg5[%arg0, %mul3A_8, %dma_wait3A_257] : memref<2x10240x128xf32, #tpu.memory_space<hbm>> -> memref<1x40x128xf32, #tpu.memory_space<hbm>>
    %dma_wait3A_259 = tpu.memref_squeeze %dma_wait3A_258 : memref<1x40x128xf32, #tpu.memory_space<hbm>> -> memref<40x128xf32, #tpu.memory_space<hbm>>
    tpu.wait_dma2 semaphore(%arg14 : memref<!tpu.dma_semaphore, #tpu.memory_space<semaphore_mem>>) src(%arg8 : memref<40x128xf32, #tpu.memory_space<vmem>>) dst(%dma_wait3A_259 : memref<40x128xf32, #tpu.memory_space<hbm>>)
    %dma_wait3A_260 = arith.constant 0 : i32
    %dma_wait3A_261 = tpu.memref_slice %arg5[%arg0, %mul3A_8, %dma_wait3A_260] : memref<2x10240x128xf32, #tpu.memory_space<hbm>> -> memref<1x40x128xf32, #tpu.memory_space<hbm>>
    %dma_wait3A_262 = tpu.memref_squeeze %dma_wait3A_261 : memref<1x40x128xf32, #tpu.memory_space<hbm>> -> memref<40x128xf32, #tpu.memory_space<hbm>>
    %dma_wait3A_263 = arith.constant 0 : i32
    %dma_wait3A_264 = tpu.memref_slice %arg5[%arg0, %mul3A_8, %dma_wait3A_263] : memref<2x10240x128xf32, #tpu.memory_space<hbm>> -> memref<1x40x128xf32, #tpu.memory_space<hbm>>
    %dma_wait3A_265 = tpu.memref_squeeze %dma_wait3A_264 : memref<1x40x128xf32, #tpu.memory_space<hbm>> -> memref<40x128xf32, #tpu.memory_space<hbm>>
    tpu.wait_dma2 semaphore(%arg15 : memref<!tpu.dma_semaphore, #tpu.memory_space<semaphore_mem>>) src(%arg9 : memref<40x128xf32, #tpu.memory_space<vmem>>) dst(%dma_wait3A_265 : memref<40x128xf32, #tpu.memory_space<hbm>>)
    %dma_wait3A_266 = arith.constant 0 : i32
    %dma_wait3A_267 = tpu.memref_slice %arg5[%arg0, %mul3A_8, %dma_wait3A_266] : memref<2x10240x128xf32, #tpu.memory_space<hbm>> -> memref<1x40x128xf32, #tpu.memory_space<hbm>>
    %dma_wait3A_268 = tpu.memref_squeeze %dma_wait3A_267 : memref<1x40x128xf32, #tpu.memory_space<hbm>> -> memref<40x128xf32, #tpu.memory_space<hbm>>
    %dma_wait3A_269 = arith.constant 0 : i32
    %dma_wait3A_270 = tpu.memref_slice %arg5[%arg0, %mul3A_8, %dma_wait3A_269] : memref<2x10240x128xf32, #tpu.memory_space<hbm>> -> memref<1x40x128xf32, #tpu.memory_space<hbm>>
    %dma_wait3A_271 = tpu.memref_squeeze %dma_wait3A_270 : memref<1x40x128xf32, #tpu.memory_space<hbm>> -> memref<40x128xf32, #tpu.memory_space<hbm>>
    tpu.wait_dma2 semaphore(%arg16 : memref<!tpu.dma_semaphore, #tpu.memory_space<semaphore_mem>>) src(%arg10 : memref<40x128xf32, #tpu.memory_space<vmem>>) dst(%dma_wait3A_271 : memref<40x128xf32, #tpu.memory_space<hbm>>)
    %dma_wait3A_272 = arith.constant 0 : i32
    %dma_wait3A_273 = tpu.memref_slice %arg5[%arg0, %mul3A_8, %dma_wait3A_272] : memref<2x10240x128xf32, #tpu.memory_space<hbm>> -> memref<1x40x128xf32, #tpu.memory_space<hbm>>
    %dma_wait3A_274 = tpu.memref_squeeze %dma_wait3A_273 : memref<1x40x128xf32, #tpu.memory_space<hbm>> -> memref<40x128xf32, #tpu.memory_space<hbm>>
    %dma_wait3A_275 = arith.constant 0 : i32
    %dma_wait3A_276 = tpu.memref_slice %arg5[%arg0, %mul3A_8, %dma_wait3A_275] : memref<2x10240x128xf32, #tpu.memory_space<hbm>> -> memref<1x40x128xf32, #tpu.memory_space<hbm>>
    %dma_wait3A_277 = tpu.memref_squeeze %dma_wait3A_276 : memref<1x40x128xf32, #tpu.memory_space<hbm>> -> memref<40x128xf32, #tpu.memory_space<hbm>>
    tpu.wait_dma2 semaphore(%arg17 : memref<!tpu.dma_semaphore, #tpu.memory_space<semaphore_mem>>) src(%arg11 : memref<40x128xf32, #tpu.memory_space<vmem>>) dst(%dma_wait3A_277 : memref<40x128xf32, #tpu.memory_space<hbm>>)
    %dma_wait3A_278 = arith.constant 0 : i32
    %dma_wait3A_279 = tpu.memref_slice %arg5[%arg0, %mul3A_8, %dma_wait3A_278] : memref<2x10240x128xf32, #tpu.memory_space<hbm>> -> memref<1x40x128xf32, #tpu.memory_space<hbm>>
    %dma_wait3A_280 = tpu.memref_squeeze %dma_wait3A_279 : memref<1x40x128xf32, #tpu.memory_space<hbm>> -> memref<40x128xf32, #tpu.memory_space<hbm>>
    %dma_wait3A_281 = arith.constant 0 : i32
    %dma_wait3A_282 = tpu.memref_slice %arg5[%arg0, %mul3A_8, %dma_wait3A_281] : memref<2x10240x128xf32, #tpu.memory_space<hbm>> -> memref<1x40x128xf32, #tpu.memory_space<hbm>>
    %dma_wait3A_283 = tpu.memref_squeeze %dma_wait3A_282 : memref<1x40x128xf32, #tpu.memory_space<hbm>> -> memref<40x128xf32, #tpu.memory_space<hbm>>
    tpu.wait_dma2 semaphore(%arg18 : memref<!tpu.dma_semaphore, #tpu.memory_space<semaphore_mem>>) src(%arg12 : memref<40x128xf32, #tpu.memory_space<vmem>>) dst(%dma_wait3A_283 : memref<40x128xf32, #tpu.memory_space<hbm>>)
    return
  }
}

module attributes {stable_mosaic.version = 14 : i64} {
  func.func @mm(%arg0: i32, %arg1: memref<2x2000x128xf32, #tpu.memory_space<vmem>>, %arg2: memref<128x128xf32, #tpu.memory_space<vmem>>, %arg3: memref<1x128xf32, #tpu.memory_space<vmem>>, %arg4: memref<2000x128xf32, #tpu.memory_space<vmem>>) attributes {dimension_semantics = [#tpu.dimension_semantics<arbitrary>], iteration_bounds = array<i64: 5>, scalar_prefetch = 0 : i64, scratch_operands = 0 : i64, tpu.core_type = #tpu.core_type<tc>, window_params = [{transform_indices = @transform_0, window_bounds = array<i64: 2, 2000, 128>}, {pipeline_mode = #tpu.pipeline_mode<synchronous>, transform_indices = @transform_1, window_bounds = array<i64: 128, 128>}, {pipeline_mode = #tpu.pipeline_mode<synchronous>, transform_indices = @transform_2, window_bounds = array<i64: 1, 128>}, {transform_indices = @transform_3, window_bounds = array<i64: 2000, 128>}]} {
    %get3A = arith.constant 0 : index
    %get3A_0 = arith.constant 0 : index
    %get3A_1 = arith.constant 0 : index
    %get3A_2 = vector.load %arg1[%get3A, %get3A_0, %get3A_1] : memref<2x2000x128xf32, #tpu.memory_space<vmem>>, vector<1x2000x128xf32>
    %get3A_3 = vector.shape_cast %get3A_2 : vector<1x2000x128xf32> to vector<2000x128xf32>
    %get3A_4 = arith.constant 1 : index
    %get3A_5 = arith.constant 0 : index
    %get3A_6 = arith.constant 0 : index
    %get3A_7 = vector.load %arg1[%get3A_4, %get3A_5, %get3A_6] : memref<2x2000x128xf32, #tpu.memory_space<vmem>>, vector<1x2000x128xf32>
    %get3A_8 = vector.shape_cast %get3A_7 : vector<1x2000x128xf32> to vector<2000x128xf32>
    %add3A = arith.addf %get3A_3, %get3A_8 : vector<2000x128xf32>
    %get3A_9 = arith.constant 0 : index
    %get3A_10 = arith.constant 0 : index
    %get3A_11 = vector.load %arg2[%get3A_9, %get3A_10] : memref<128x128xf32, #tpu.memory_space<vmem>>, vector<128x128xf32>
    %dot_general3A = arith.constant dense<0.000000e+00> : vector<2000x128xf32>
    %dot_general3A_12 = tpu.matmul %add3A, %get3A_11, %dot_general3A {dimension_numbers = #tpu.dot_dimension_numbers<[1], [0], [0], [1], [0, 0, 1, 1], [], []>, transpose_lhs_hint = false} : vector<2000x128xf32>, vector<128x128xf32>, vector<2000x128xf32> -> vector<2000x128xf32>
    %get3A_13 = arith.constant 0 : index
    %get3A_14 = arith.constant 0 : index
    %get3A_15 = vector.load %arg3[%get3A_13, %get3A_14] : memref<1x128xf32, #tpu.memory_space<vmem>>, vector<1x128xf32>
    %add3A_16 = vector.broadcast %get3A_15 : vector<1x128xf32> to vector<2000x128xf32>
    %add3A_17 = arith.addf %dot_general3A_12, %add3A_16 : vector<2000x128xf32>
    %swap3A = arith.constant 0 : index
    %swap3A_18 = arith.constant 0 : index
    %swap3A_19 = vector.load %arg4[%swap3A, %swap3A_18] : memref<2000x128xf32, #tpu.memory_space<vmem>>, vector<2000x128xf32>
    tpu.vector_store %arg4[%swap3A, %swap3A_18], %add3A_17 {strides = array<i32>} : memref<2000x128xf32, #tpu.memory_space<vmem>>, vector<2000x128xf32>,
    return
  }
  func.func @transform_0(%arg0: i32) -> (i32, i32, i32) {
    %c0_i32 = arith.constant 0 : i32
    %c0_i32_0 = arith.constant 0 : i32
    %c0_i32_1 = arith.constant 0 : i32
    return %c0_i32, %arg0, %c0_i32_0 : i32, i32, i32
  }
  func.func @transform_1(%arg0: i32) -> (i32, i32) {
    %c0_i32 = arith.constant 0 : i32
    %c0_i32_0 = arith.constant 0 : i32
    %c0_i32_1 = arith.constant 0 : i32
    return %c0_i32, %c0_i32_0 : i32, i32
  }
  func.func @transform_2(%arg0: i32) -> (i32, i32) {
    %c0_i32 = arith.constant 0 : i32
    %c0_i32_0 = arith.constant 0 : i32
    %c0_i32_1 = arith.constant 0 : i32
    return %c0_i32, %c0_i32_0 : i32, i32
  }
  func.func @transform_3(%arg0: i32) -> (i32, i32) {
    %c0_i32 = arith.constant 0 : i32
    %c0_i32_0 = arith.constant 0 : i32
    return %arg0, %c0_i32 : i32, i32
  }
}

</mosaic_0001>

<sc_bundles>
// kernel: kernel.4.cloned.1.call-start
scs
__scs_entry_jumppad:
0x0: {  	(pc) =	sbr.rel $0x88, $3  }
0x1: {  	(tag) =	ssettag $0x0;
	lr =	simm.s32 $0x1  }
0x2: {  	[smem:$0x3F9D] =	sst lr;
	_ =	strace $0xD0000000  }
0x3: {  	_ = 	snop  }
0x4: {  	_ = 	snop  }
0x5: {  	_ = 	snop  }
0x6: {  	_ = 	snop  }
0x7: {  	_ = 	snop  }
__scs_overlays_trampoline_lowered:
0x8: {  	[smem:$0x3FAC] =	sst s0  }
0x9: {  	[smem:$0x3FAD] =	sst s1  }
0xa: {  	[smem:$0x3FAE] =	sst s2  }
0xb: {  	[smem:$0x3FAF] =	sst s3  }
0xc: {  	[smem:$0x3FB0] =	sst s4  }
0xd: {  	[smem:$0x3FB1] =	sst s5  }
0xe: {  	[smem:$0x3FB2] =	sst s6  }
0xf: {  	[smem:$0x3FB3] =	sst s7  }
0x10: {  	[smem:$0x3FB4] =	sst s8  }
0x11: {  	[smem:$0x3FB5] =	sst s9;
	s0 =	simm.s32 @!p0 $0x0  }
0x12: {  	s1 =	sld [smem:$0x3F9B];
	s0 =	simm.s32 @p0 $0x1  }
0x13: {  	[smem:$0x3FB6] =	sst s0;
	s0 =	simm.s32 @!p1 $0x0  }
0x14: {  	s2 =	sld [smem:$0x3F9A];
	s0 =	simm.s32 @p1 $0x1  }
0x15: {  	[smem:$0x3FB7] =	sst s0;
	s0 =	simm.s32 @!p2 $0x0  }
0x16: {  	s3 =	sld [smem:$0x3FDB];
	s0 =	simm.s32 @p2 $0x1  }
0x17: {  	s4 =	simm.s32 $0x1BF5;
	[smem:$0x3FB9] =	sst s0  }
0x18: {  	s0 =	sld [smem:$0x3F9C];
	_ =	swait.ge [sflag:s4], $0x0  }
0x19: {  	s7 =	sld [smem:$0x3F9D]  }
0x1a: {  	s8 =	sadd.s32 $0xFFFFE003, lr  }
0x1b: {  	s9 =	sadd.s32 $0xFFFFFEF7, lr;
	s5 =	simm.s32 $0xFFFFFFFF;
	p2 =	slt.u32 s8, $0xFFFFF086  }
0x1c: {  	p1 =	slt.u32 s9, $0xF7A;
	s5 =	simm.s32 @!p2 $0x0  }
0x1d: {  	s5 =	simm.s32 @p1 $0x1;
	p0 =	seq.s32 s7, s2  }
0x1e: {  	s7 =	smul.u32 @!p0 $0xF7A, s2;
	p2 =	seq.s32 @!p0 s5, $0x0  }
0x1f: {  	s9 =	smul.u32 $0xF7A, s1;
	s8 =	simm.s32 @!p0 $0x1BF5;
	p2 =	por !p2, p0  }
0x20: {  	[sflag:s8] =	ssyncset.s32 @!p0 $0xFFFFF086;
	s6 =	sadd.s32 @!p0 s3, s7;
	s7 =	simm.s32 @!p0 $0x108  }
0x21: {  	s3 =	sadd.s32 s3, s9;
	s6 =	sadd.s32 @!p0 $0x88, s6;
	s7 =	simm.s32 @p2 $0x1082  }
0x22: {  	[simem:s7], [sflag:s8] =	dma.local @!p0 [hbm:s6], $0xF7A  }
0x23: {  	s9 =	sor.u32 $0xD0000000, s2;
	s6 =	simm.s32 $0x108;
	_ =	swait.ge @!p0 [sflag:s8], $0x0  }
0x24: {  	s3 =	sadd.s32 $0x88, s3;
	s6 =	simm.s32 @!p1 $0x1082;
	[sflag:s4] =	ssyncset.s32 $0xFFFFF086  }
0x25: {  	[simem:s6], [sflag:s4] =	dma.local [hbm:s3], $0xF7A  }
0x26: {  	[smem:$0x3F9D] =	sst s1;
	(tag) =	ssettag s2;
	_ =	strace s9  }
0x27: {  	s1 =	sld [smem:$0x3FAD]  }
0x28: {  	s2 =	sld [smem:$0x3FAE]  }
0x29: {  	s4 =	sld [smem:$0x3FB0]  }
0x2a: {  	p0 =	seq.s32 s5, $0x0;
	s5 =	sld [smem:$0x3FB1]  }
0x2b: {  	s6 =	sld [smem:$0x3FB2]  }
0x2c: {  	s7 =	sld [smem:$0x3FB3]  }
0x2d: {  	s3 =	simm.s32 $0x108;
	s8 =	sld [smem:$0x3FB4]  }
0x2e: {  	s3 =	simm.s32 @!p0 $0x1082;
	s9 =	sld [smem:$0x3FB5]  }
0x2f: {  	lr =	sadd.s32 s0, s3;
	s0 =	sld [smem:$0x3FAC]  }
0x30: {  	s3 =	sld [smem:$0x3FAF]  }
0x31: {  	[smem:$0x3FB8] =	sst s10  }
0x32: {  	s10 =	sld [smem:$0x3FB6];
	_ =	sdelay $0x3  }
0x33: {  	p0 =	seq.s32 s10, $0x1;
	s10 =	sld [smem:$0x3FB8];
	_ =	sdelay $0x3  }
0x34: {  	[smem:$0x3FB8] =	sst s10  }
0x35: {  	s10 =	sld [smem:$0x3FB7];
	_ =	sdelay $0x3  }
0x36: {  	p1 =	seq.s32 s10, $0x1;
	s10 =	sld [smem:$0x3FB8];
	_ =	sdelay $0x3  }
0x37: {  	[smem:$0x3FB8] =	sst s10  }
0x38: {  	s10 =	sld [smem:$0x3FB9]  }
0x39: {  	_ = 	snop;
	(pc) =	sbr.ind lr, $3  }
0x3a: {  	_ = 	snop  }
0x3b: {  	_ = 	snop  }
0x3c: {  	p2 =	seq.s32 s10, $0x1;
	s10 =	sld [smem:$0x3FB8]  }
0x3d: {  	_ =	shalt  }
0x3e: {  	_ =	shalt  }
0x3f: {  	_ =	shalt  }
0x40: {  	_ =	shalt  }
0x41: {  	_ =	shalt  }
0x42: {  	_ =	shalt  }
0x43: {  	_ =	shalt  }
0x44: {  	_ =	shalt  }
0x45: {  	_ =	shalt  }
0x46: {  	_ =	shalt  }
0x47: {  	_ =	shalt  }
0x48: {  	_ =	shalt  }
0x49: {  	_ =	shalt  }
0x4a: {  	_ =	shalt  }
0x4b: {  	_ =	shalt  }
0x4c: {  	_ =	shalt  }
0x4d: {  	_ =	shalt  }
0x4e: {  	_ =	shalt  }
0x4f: {  	_ =	shalt  }
0x50: {  	_ =	shalt  }
0x51: {  	_ =	shalt  }
0x52: {  	_ =	shalt  }
0x53: {  	_ =	shalt  }
0x54: {  	_ =	shalt  }
0x55: {  	_ =	shalt  }
0x56: {  	_ =	shalt  }
0x57: {  	_ =	shalt  }
0x58: {  	_ =	shalt  }
0x59: {  	_ =	shalt  }
0x5a: {  	_ =	shalt  }
0x5b: {  	_ =	shalt  }
0x5c: {  	_ =	shalt  }
0x5d: {  	_ =	shalt  }
0x5e: {  	_ =	shalt  }
0x5f: {  	_ =	shalt  }
0x60: {  	_ =	shalt  }
0x61: {  	_ =	shalt  }
0x62: {  	_ =	shalt  }
0x63: {  	_ =	shalt  }
0x64: {  	_ =	shalt  }
0x65: {  	_ =	shalt  }
0x66: {  	_ =	shalt  }
0x67: {  	_ =	shalt  }
0x68: {  	_ =	shalt  }
0x69: {  	_ =	shalt  }
0x6a: {  	_ =	shalt  }
0x6b: {  	_ =	shalt  }
0x6c: {  	_ =	shalt  }
0x6d: {  	_ =	shalt  }
0x6e: {  	_ =	shalt  }
0x6f: {  	_ =	shalt  }
0x70: {  	_ =	shalt  }
0x71: {  	_ =	shalt  }
0x72: {  	_ =	shalt  }
0x73: {  	_ =	shalt  }
0x74: {  	_ =	shalt  }
0x75: {  	_ =	shalt  }
0x76: {  	_ =	shalt  }
0x77: {  	_ =	shalt  }
0x78: {  	_ =	shalt  }
0x79: {  	_ =	shalt  }
0x7a: {  	_ =	shalt  }
0x7b: {  	_ =	shalt  }
0x7c: {  	_ =	shalt  }
0x7d: {  	_ =	shalt  }
0x7e: {  	_ =	shalt  }
0x7f: {  	_ =	shalt  }
0x80: {  	_ =	shalt  }
0x81: {  	_ =	shalt  }
0x82: {  	_ =	shalt  }
0x83: {  	_ =	shalt  }
0x84: {  	_ =	shalt  }
0x85: {  	_ =	shalt  }
0x86: {  	_ =	shalt  }
0x87: {  	_ =	shalt  }
.Lfunc_end0:
.L_simem_size_0:
called_computation_lowered:
.L_overlay_start_0:
0x88: {  	s2 =	sld [smem:$0x3FD9]  }
0x89: {  	s3 =	sld [smem:$0x3FFE];
	_ =	sdelay $0x1  }
0x8a: {  	s1 =	srdreg.scid  }
0x8b: {  	s0 =	sand.u32 $0x1, s1  }
0x8c: {  	s17 =	sshll.u32 s0, $0xA;
	s2 =	sadd.s32 s3, s2  }
0x8d: {  	s2 =	sadd.s32 s2, s17  }
0x8e: {  	[smem:$0x3FC4] =	sst s2  }
0x8f: {  	_ = 	snop  }
0x90: {  	s2 =	sld [smem:$0x3FC9]  }
0x91: {  	s18 =	sld [smem:$0x3FD0];
	(tm) =	ssettm $0x1  }
0x92: {  	s4 =	sld [smem:$0x3FFB];
	_ =	sdelay $0x3  }
0x93: {  	_ =	strace s4  }
0x94: {  	s4 =	sld [smem:$0x3FFC];
	_ =	sdelay $0x3  }
0x95: {  	_ =	strace s4  }
0x96: {  	s4 =	sld [smem:$0x3FFD];
	_ =	sdelay $0x3  }
0x97: {  	_ =	strace s4  }
0x98: {  	_ =	strace $0x8FFFFFFF  }
0x99: {  	s19 =	sld [smem:$0x3FDB];
	_ =	sdelay $0x1  }
0x9a: {  	s5 =	simm.s32 $_scs_section_size  }
0x9b: {  	s6 =	simm.s32 $_size__tile_overlayer_lowered;
	s7 =	simm.s32 $_tile_overlayer_lowered  }
0x9c: {  	s22 =	simm.s32 $0x1BFF;
	s21 =	sshll.u32 s7, $0x1;
	s4 =	sadd.s32 s5, s19  }
0x9d: {  	s8 =	simm.s32 $0x0;
	s20 =	sshll.u32 s6, $0x1;
	s6 =	sadd.s32 s21, s4  }
0x9e: {  	[timem:s8], [sflag:s22] =	dma.local [hbm:s6], s20  }
0x9f: {  	_ =	swait.ge [sflag:s22], s20  }
0xa0: {  	s5 =	ssub.s32 $0x0, s20;
	[sflag:s22] =	ssyncset.done $0x0  }
0xa1: {  	[sflag:s22] =	ssyncadd.s32 s5;
	_ =	sdelay $0x1  }
0xa2: {  	s23 =	simm.s32 $0x1B8B  }
0xa3: {  	_ =	swait.ge [sflag:s23], $0x1  }
0xa4: {  	[sflag:s23] =	ssyncset.done $0x0  }
0xa5: {  	s25 =	simm.s32 $0x1B8E;
	s24 =	sld [smem:$0x3FFE];
	[sflag:s23] =	ssyncadd.s32 $0xFFFFFFFF  }
0xa6: {  	s26 =	simm.s32 $execute0_lowered;
	[smem:$0x3FD2] =	sst s25  }
0xa7: {  	s6 =	sshll.u32 s26, $0x1;
	_ =	strace $0x80000046;
	[dreg:$0x1] =	wrdreg $0xFFFFFFFF  }
0xa8: {  	s28 =	simm.s32 $_size_execute0_lowered;
	s4 =	sadd.s32 s4, s6;
	[dreg:$0x0] =	wrdreg $0x0  }
0xa9: {  	s6 =	sshll.u32 s28, $0x1;
	[dreg:$0x2] =	wrdreg s4  }
0xaa: {  	[dreg:$0x3] =	wrdreg s6  }
0xab: {  	[dreg:$0x4] =	wrdreg $0xC0  }
0xac: {  	_ =	task [dreg:s8], $0x5FFFF  }
0xad: {  	[dreg:$0x1] =	wrdreg $0xFFFFFFFF  }
0xae: {  	[dreg:$0x0] =	wrdreg $0x60  }
0xaf: {  	[dreg:$0x2] =	wrdreg s2  }
0xb0: {  	[dreg:$0x3] =	wrdreg s18  }
0xb1: {  	[dreg:$0x4] =	wrdreg s24  }
0xb2: {  	[dreg:$0x5] =	wrdreg $0xB3000  }
0xb3: {  	[dreg:$0x6] =	wrdreg $0x9  }
0xb4: {  	_ =	task.clear_ibuf [dreg:s8], $0x7FFFF;
	_ =	strace $0x90000046  }
0xb5: {  	s29 =	simm.s32 $0x9;
	_ =	strace $0x80000048  }
0xb6: {  	_ =	swait.ge [sflag:s29], $0x1  }
0xb7: {  	[sflag:s29] =	ssyncadd.s32 $0xFFFFFFFF  }
0xb8: {  	_ =	strace $0x90000048  }
0xb9: {  	_ =	sfence  }
0xba: {  	s30 =	sld [smem:$0x0];
	_ =	sdelay $0x2  }
0xbb: {  	s31 =	sshll.u32 s1, $0xD;
	s1 =	sshrl.u32 s1, $0x2  }
0xbc: {  	s3 =	sand.u32 $0x4000, s31;
	s1 =	sadd.s32 s1, s30  }
0xbd: {  	s0 =	sor.u32 s3, s0;
	s1 =	sshll.u32 s1, $0x11  }
0xbe: {  	s0 =	sor.u32 s1, s0  }
0xbf: {  	s0 =	sadd.s32 $0x8F2B, s0  }
0xc0: {  	[sflag:s0] =	ssyncadd.remote.s32 $0x1  }
0xc1: {  	_ =	sfence.sel $0xFFFF  }
0xc2: {  	[dreg:$0x0] =	wrdreg $0xFFFFFFFF;
	(pc) =	sbr.abs _section_cstart, $3  }
0xc3: {  	[dreg:$0x1] =	wrdreg $0xFFFFFFFF  }
0xc4: {  	_ =	task.clear_ibuf [dreg:s8], $0x2FFFF;
	_ =	strace $0x9FFFFFFF  }
0xc5: {  	(tm) =	ssettm $0x7FFFFFFF  }
tec
execute0_lowered:
.L_overlay_start_1:
0x0: {  	(tag) =	ssettag $0x1  }
0x1: {  	s4 =	rddreg [dreg:$0x1];
	s23 =	stileid.u32  }
0x2: {  	s0 =	srdreg.scid;
	s7 =	rddreg [dreg:$0x2];
	s10 =	sshrl.u32 s23, $0x2  }
0x3: {  	s2 =	sand.u32 $0x1, s0;
	s1 =	sshll.u32 s23, $0x8;
	s0 =	smul.u32 $0x13C00, s10  }
0x4: {  	s3 =	sshll.u32 s2, $0x7;
	s5 =	sand.u32 $0x300, s1;
	s1 =	simm.s32 $0x0  }
0x5: {  	s8 =	ssub.s32 $0x2, s2;
	s6 =	smul.u32 $0x140000, s2;
	s3 =	sor.u32 s3, s5  }
0x6: {  	[smem:$0x7FF] =	sst s1;
	s5 =	smul.u32 $0x14000, s23;
	s10 =	sshrl.u32 s8, $0x1  }
0x7: {  	s23 =	smul.u32 $0x50000, s23;
	s0 =	sor.u32 s0, s3;
	s3 =	sadd.s32 $0xA000, s7  }
0x8: {  	s8 =	ssub.s32 s8, s10;
	s9 =	sshrl.u32 s0, $0x3;
	s2 =	sor.u32 $0x1400, s5  }
0x9: {  	s11 =	sadd.s32 s5, s6;
	s8 =	smax.u32 s8, $0x1;
	s0 =	sadd.s32 s9, s7  }
0xa: {  	s4 =	sadd.s32 s4, s9;
	s12 =	sadd.s32 s6, s2;
	s13 =	sshrl.u32 s11, $0x3  }
0xb: {  	[dreg:$0x5] =	wrdreg s4;
	s7 =	sshrl.u32 s12, $0x3;
	s4 =	sor.u32 $0x2800, s5  }
0xc: {  	s9 =	sadd.s32 s3, s13;
	s12 =	sadd.s32 $0x6400, s5;
	s13 =	sadd.s32 $0x8C00, s5  }
0xd: {  	s0 =	sadd.s32 $0x200, s0;
	[dreg:$0x6] =	wrdreg s9;
	s7 =	sadd.s32 s3, s7  }
0xe: {  	s14 =	sadd.s32 s6, s4;
	s9 =	sadd.s32 $0x5000, s5;
	s18 =	sadd.s32 s6, s12  }
0xf: {  	[dreg:$0x7] =	wrdreg s7;
	s15 =	sshrl.u32 s14, $0x3;
	s7 =	sor.u32 $0x3C00, s5  }
0x10: {  	s11 =	sadd.s32 s6, s9;
	s14 =	sadd.s32 s6, s13;
	s10 =	sadd.s32 s3, s15  }
0x11: {  	s16 =	sadd.s32 s6, s7;
	s11 =	sshrl.u32 s11, $0x3;
	s14 =	sshrl.u32 s14, $0x3  }
0x12: {  	s15 =	sadd.s32 $0xA000, s5;
	[dreg:$0x8] =	wrdreg s10;
	s10 =	sshrl.u32 s16, $0x3  }
0x13: {  	s17 =	sadd.s32 s3, s11;
	s11 =	sadd.s32 $0x7800, s5;
	s20 =	sadd.s32 s3, s14  }
0x14: {  	s21 =	sadd.s32 s6, s15;
	s14 =	sadd.s32 $0xB400, s5;
	[dreg:$0xa] =	wrdreg s17  }
0x15: {  	s16 =	sadd.s32 $0xC800, s5;
	s10 =	sadd.s32 s3, s10;
	[dreg:$0xd] =	wrdreg s20  }
0x16: {  	s19 =	sadd.s32 s6, s11;
	[dreg:$0x9] =	wrdreg s10;
	s10 =	sshrl.u32 s18, $0x3  }
0x17: {  	s22 =	sadd.s32 s6, s14;
	s17 =	sadd.s32 s6, s16;
	s10 =	sadd.s32 s3, s10  }
0x18: {  	s20 =	sadd.s32 $0xDC00, s5;
	[dreg:$0xb] =	wrdreg s10;
	s10 =	sshrl.u32 s19, $0x3  }
0x19: {  	s17 =	sshrl.u32 s17, $0x3;
	s25 =	sadd.s32 s6, s20;
	s10 =	sadd.s32 s3, s10  }
0x1a: {  	s24 =	sadd.s32 s3, s17;
	[dreg:$0xc] =	wrdreg s10;
	s10 =	sshrl.u32 s21, $0x3  }
0x1b: {  	[dreg:$0x10] =	wrdreg s24;
	s24 =	sadd.s32 $0x11800, s5;
	s10 =	sadd.s32 s3, s10  }
0x1c: {  	s19 =	sadd.s32 s6, s24;
	[dreg:$0xe] =	wrdreg s10;
	s10 =	sshrl.u32 s22, $0x3  }
0x1d: {  	s21 =	sadd.s32 $0xF000, s5;
	s22 =	sadd.s32 $0x10400, s5;
	s10 =	sadd.s32 s3, s10  }
0x1e: {  	s29 =	sadd.s32 s6, s22;
	[dreg:$0xf] =	wrdreg s10;
	s10 =	sshrl.u32 s25, $0x3  }
0x1f: {  	s26 =	sadd.s32 s6, s21;
	s17 =	sshrl.u32 s29, $0x3;
	s10 =	sadd.s32 s3, s10  }
0x20: {  	s25 =	sadd.s32 $0x12C00, s5;
	s18 =	sadd.s32 s3, s17;
	[dreg:$0x11] =	wrdreg s10  }
0x21: {  	s5 =	sadd.s32 s6, s25;
	s10 =	sshrl.u32 s26, $0x3;
	[dreg:$0x13] =	wrdreg s18  }
0x22: {  	s18 =	rddreg [dreg:$0x0];
	s5 =	sshrl.u32 s5, $0x3;
	s10 =	sadd.s32 s3, s10  }
0x23: {  	s26 =	sshrl.u32 s23, $0x2;
	[dreg:$0x12] =	wrdreg s10;
	s10 =	sshrl.u32 s19, $0x3  }
0x24: {  	s19 =	rddreg [dreg:$0x3];
	s10 =	sadd.s32 s3, s10;
	s3 =	sadd.s32 s3, s5  }
0x25: {  	s29 =	sadd.s32 s26, s19;
	s6 =	sadd.s32 s2, s19;
	s17 =	sadd.s32 s4, s19  }
0x26: {  	s23 =	sadd.s32 s7, s19;
	s28 =	sadd.s32 s9, s19;
	s30 =	sadd.s32 s12, s19  }
0x27: {  	s31 =	sadd.s32 s11, s19;
	s2 =	sadd.s32 s14, s19;
	s4 =	sadd.s32 s20, s19  }
0x28: {  	s5 =	sadd.s32 s21, s19;
	s7 =	sadd.s32 s24, s19;
	[dreg:$0x14] =	wrdreg s10  }
0x29: {  	s12 =	simm.s32 $0x4F00;
	s20 =	simm.s32 $0x6300;
	[dreg:$0x15] =	wrdreg s3  }
0x2a: {  	s21 =	simm.s32 $0x7700;
	_ =	strace $0x80000047;
	[dreg:$0x16] =	wrdreg s0  }
0x2b: {  	s24 =	simm.s32 $0x1;
	s14 =	simm.s32 $0x3;
	[dreg:$0x17] =	wrdreg s6  }
0x2c: {  	s3 =	sadd.s32 s16, s19;
	s26 =	sadd.s32 $0x2800, s29;
	[dreg:$0x18] =	wrdreg s17  }
0x2d: {  	s16 =	simm.s32 $0x28;
	s10 =	simm.s32 $0x0;
	[dreg:$0x19] =	wrdreg s23  }
0x2e: {  	s17 =	sadd.s32 s13, s19;
	s0 =	sadd.s32 s15, s19;
	[dreg:$0x1b] =	wrdreg s8  }
0x2f: {  	s6 =	sadd.s32 s22, s19;
	s23 =	sadd.s32 s25, s19;
	[dreg:$0x1d] =	wrdreg s26  }
0x30: {  	s25 =	sadd.s32 $0x1400, s29;
	[dreg:$0x1a] =	wrdreg s29;
	s29 =	sadd.s32 $0x3C00, s29  }
0x31: {  	s13 =	simm.s32 $0x6;
	s22 =	simm.s32 $0x8B00;
	[dreg:$0x1f] =	wrdreg s28  }
0x32: {  	s26 =	simm.s32 $0x2;
	s15 =	simm.s32 $0x4;
	[dreg:$0x1c] =	wrdreg s25  }
0x33: {  	v0 =	vimm.f32 $0.0e+00;
	s8 =	simm.s32 $0x5;
	[dreg:$0x1e] =	wrdreg s29;
	s25 =	simm.s32 $0x9F00  }
.LBB2_1:
0x34: {  	[smem:$0x7FD] =	sst s10  }
0x35: {  	s9 =	smov.u32 s23;
	s23 =	smov.u32 s7;
	s7 =	smov.u32 s6  }
0x36: {  	s6 =	smov.u32 s5;
	s5 =	smov.u32 s4;
	s4 =	smov.u32 s3  }
0x37: {  	s3 =	smov.u32 s2;
	s2 =	smov.u32 s0;
	s0 =	smov.u32 s17  }
0x38: {  	s17 =	smov.u32 s31;
	s31 =	smov.u32 s30;
	s29 =	sand.u32 $0x7E00, s1  }
0x39: {  	s30 =	smov.u32 s28;
	s11 =	sand.u32 $0x70, s1;
	s28 =	sshrl.u32 s29, $0x2  }
0x3a: {  	s10 =	simm.s32 $0x40;
	s28 =	sor.u32 s11, s28;
	s11 =	simm.s32 $0x0  }
.LBB2_2:
0x3b: {  	p0 =	sne.s32 s10, $0x4FC0  }
0x3c: {  	[tilespmem:s28+$0x4F00] =	vst v0;
	s11 =	sadd.s32 $0x10, s11;
	s28 =	smov.u32 s10;
	s10 =	sadd.s32 $0x40, s10  }
.Ltmp0:
0x3d: {  	(pc) =	sbr.rel @p0 .LBB2_2-.Ltmp0, $4  }
0x3e: {  	_ = 	snop  }
0x3f: {  	s28 =	sand.u32 $0x7E00, s28  }
0x40: {  	s29 =	sand.u32 $0x70, s11;
	s28 =	sshrl.u32 s28, $0x2  }
0x41: {  	s28 =	sor.u32 s29, s28  }
0x42: {  	[tilespmem:s28+$0x4F00] =	vst v0;
	s10 =	rddreg [dreg:$0x1a]  }
0x43: {  	[spmem:s10] =	stream.linear.scatter [tilespmem:s12], [sflag:$0x6], $0x1400, $0x38;
	[tilespmem:$0x1F300] =	vst v63  }
0x44: {  	_ =	swait.ge [sflag:s13], $0x1400  }
0x45: {  	[sflag:s13] =	ssyncset.done $0x0  }
0x46: {  	s11 =	rddreg [dreg:$0x1c];
	[sflag:s13] =	ssyncadd.s32 $0xFFFFEC00  }
0x47: {  	[spmem:s11] =	stream.linear.scatter [tilespmem:s12], [sflag:$0x6], $0x1400, $0x38;
	[tilespmem:$0x1F300] =	vst v63  }
0x48: {  	_ =	swait.ge [sflag:s13], $0x1400  }
0x49: {  	[sflag:s13] =	ssyncset.done $0x0  }
0x4a: {  	s28 =	rddreg [dreg:$0x1d];
	[sflag:s13] =	ssyncadd.s32 $0xFFFFEC00  }
0x4b: {  	[spmem:s28] =	stream.linear.scatter [tilespmem:s12], [sflag:$0x6], $0x1400, $0x38;
	[tilespmem:$0x1F300] =	vst v63  }
0x4c: {  	_ =	swait.ge [sflag:s13], $0x1400  }
0x4d: {  	[sflag:s13] =	ssyncset.done $0x0  }
0x4e: {  	s29 =	rddreg [dreg:$0x1e];
	[sflag:s13] =	ssyncadd.s32 $0xFFFFEC00  }
0x4f: {  	[spmem:s29] =	stream.linear.scatter [tilespmem:s12], [sflag:$0x6], $0x1400, $0x38;
	[tilespmem:$0x1F300] =	vst v63  }
0x50: {  	_ =	swait.ge [sflag:s13], $0x1400  }
0x51: {  	[sflag:s13] =	ssyncset.done $0x0  }
0x52: {  	[sflag:s13] =	ssyncadd.s32 $0xFFFFEC00  }
0x53: {  	[spmem:s30] =	stream.linear.scatter [tilespmem:s12], [sflag:$0x6], $0x1400, $0x38;
	[tilespmem:$0x1F300] =	vst v63  }
0x54: {  	_ =	swait.ge [sflag:s13], $0x1400  }
0x55: {  	[sflag:s13] =	ssyncset.done $0x0  }
0x56: {  	[sflag:s13] =	ssyncadd.s32 $0xFFFFEC00  }
0x57: {  	[spmem:s31] =	stream.linear.scatter [tilespmem:s12], [sflag:$0x6], $0x1400, $0x38;
	[tilespmem:$0x1F300] =	vst v63  }
0x58: {  	_ =	swait.ge [sflag:s13], $0x1400  }
0x59: {  	[sflag:s13] =	ssyncset.done $0x0  }
0x5a: {  	[sflag:s13] =	ssyncadd.s32 $0xFFFFEC00  }
0x5b: {  	[spmem:s17] =	stream.linear.scatter [tilespmem:s12], [sflag:$0x6], $0x1400, $0x38;
	[tilespmem:$0x1F300] =	vst v63  }
0x5c: {  	_ =	swait.ge [sflag:s13], $0x1400  }
0x5d: {  	[sflag:s13] =	ssyncset.done $0x0  }
0x5e: {  	[sflag:s13] =	ssyncadd.s32 $0xFFFFEC00  }
0x5f: {  	[spmem:s0] =	stream.linear.scatter [tilespmem:s12], [sflag:$0x6], $0x1400, $0x38;
	[tilespmem:$0x1F300] =	vst v63  }
0x60: {  	_ =	swait.ge [sflag:s13], $0x1400  }
0x61: {  	[sflag:s13] =	ssyncset.done $0x0  }
0x62: {  	[sflag:s13] =	ssyncadd.s32 $0xFFFFEC00  }
0x63: {  	[spmem:s2] =	stream.linear.scatter [tilespmem:s12], [sflag:$0x6], $0x1400, $0x38;
	[tilespmem:$0x1F300] =	vst v63  }
0x64: {  	_ =	swait.ge [sflag:s13], $0x1400  }
0x65: {  	[sflag:s13] =	ssyncset.done $0x0  }
0x66: {  	[sflag:s13] =	ssyncadd.s32 $0xFFFFEC00  }
0x67: {  	[spmem:s3] =	stream.linear.scatter [tilespmem:s12], [sflag:$0x6], $0x1400, $0x38;
	[tilespmem:$0x1F300] =	vst v63  }
0x68: {  	_ =	swait.ge [sflag:s13], $0x1400  }
0x69: {  	[sflag:s13] =	ssyncset.done $0x0  }
0x6a: {  	[sflag:s13] =	ssyncadd.s32 $0xFFFFEC00  }
0x6b: {  	[spmem:s4] =	stream.linear.scatter [tilespmem:s12], [sflag:$0x6], $0x1400, $0x38;
	[tilespmem:$0x1F300] =	vst v63  }
0x6c: {  	_ =	swait.ge [sflag:s13], $0x1400  }
0x6d: {  	[sflag:s13] =	ssyncset.done $0x0  }
0x6e: {  	[sflag:s13] =	ssyncadd.s32 $0xFFFFEC00  }
0x6f: {  	[spmem:s5] =	stream.linear.scatter [tilespmem:s12], [sflag:$0x6], $0x1400, $0x38;
	[tilespmem:$0x1F300] =	vst v63  }
0x70: {  	_ =	swait.ge [sflag:s13], $0x1400  }
0x71: {  	[sflag:s13] =	ssyncset.done $0x0  }
0x72: {  	[sflag:s13] =	ssyncadd.s32 $0xFFFFEC00  }
0x73: {  	[spmem:s6] =	stream.linear.scatter [tilespmem:s12], [sflag:$0x6], $0x1400, $0x38;
	[tilespmem:$0x1F300] =	vst v63  }
0x74: {  	_ =	swait.ge [sflag:s13], $0x1400  }
0x75: {  	[sflag:s13] =	ssyncset.done $0x0  }
0x76: {  	[sflag:s13] =	ssyncadd.s32 $0xFFFFEC00  }
0x77: {  	[spmem:s7] =	stream.linear.scatter [tilespmem:s12], [sflag:$0x6], $0x1400, $0x38;
	[tilespmem:$0x1F300] =	vst v63  }
0x78: {  	_ =	swait.ge [sflag:s13], $0x1400  }
0x79: {  	s10 =	simm.s32 $0x0;
	[sflag:s13] =	ssyncset.done $0x0  }
0x7a: {  	s28 =	simm.s32 $0x400;
	s30 =	smov.u32 s31;
	[sflag:s13] =	ssyncadd.s32 $0xFFFFEC00  }
0x7b: {  	[spmem:s23] =	stream.linear.scatter [tilespmem:s12], [sflag:$0x6], $0x1400, $0x38;
	[tilespmem:$0x1F300] =	vst v63  }
0x7c: {  	s31 =	smov.u32 s17;
	s17 =	smov.u32 s0;
	_ =	swait.ge [sflag:s13], $0x1400  }
0x7d: {  	s0 =	smov.u32 s2;
	s2 =	smov.u32 s3;
	[sflag:s13] =	ssyncset.done $0x0  }
0x7e: {  	s3 =	smov.u32 s4;
	s4 =	smov.u32 s5;
	[sflag:s13] =	ssyncadd.s32 $0xFFFFEC00  }
0x7f: {  	[spmem:s9] =	stream.linear.scatter [tilespmem:s12], [sflag:$0x6], $0x1400, $0x38;
	[tilespmem:$0x1F300] =	vst v63  }
0x80: {  	s5 =	smov.u32 s6;
	s6 =	smov.u32 s7;
	_ =	swait.ge [sflag:s13], $0x1400  }
0x81: {  	s7 =	smov.u32 s23;
	s23 =	smov.u32 s9;
	[sflag:s13] =	ssyncset.done $0x0  }
0x82: {  	s9 =	simm.s32 $0x80;
	s11 =	rddreg [dreg:$0x5];
	[sflag:s13] =	ssyncadd.s32 $0xFFFFEC00  }
0x83: {  	[tilespmem:s10], [sflag:$0x6] =	stream.strided.gather [hbm4b:s11+s9], $0x2780, s28, s9, $0x38;
	[tilespmem:$0x1F300] =	vst v63  }
0x84: {  	_ =	swait.ge [sflag:s13], $0x2780  }
0x85: {  	[sflag:s13] =	ssyncset.done $0x0  }
0x86: {  	s29 =	simm.s32 $0x2780;
	s11 =	rddreg [dreg:$0x16];
	[sflag:s13] =	ssyncadd.s32 $0xFFFFD880  }
0x87: {  	[tilespmem:s29], [sflag:$0x6] =	stream.strided.gather [hbm4b:s11+s9], $0x2780, s28, s9, $0x38;
	[tilespmem:$0x1F300] =	vst v63  }
0x88: {  	_ =	swait.ge [sflag:s13], $0x2780  }
0x89: {  	[sflag:s13] =	ssyncset.done $0x0  }
0x8a: {  	[sflag:s13] =	ssyncadd.s32 $0xFFFFD880  }
0x8b: {  	[bflag:$0x0] =	sbarrier.arrive $0xFFFF  }
0x8c: {  	[tilespmem:s12], [sflag:$0x1] =	stream.indirect.gather [hbm4b:s18+s16], $0x80, s10, s16, $0xb8;
	[tilespmem:$0x1F300] =	vst v63  }
0x8d: {  	_ = 	snop  }
0x8e: {  	[tilespmem:s20], [sflag:$0x2] =	stream.indirect.gather [hbm4b:s18+s16], $0x80, s16, s16, $0xb8;
	[tilespmem:$0x1F300] =	vst v63  }
0x8f: {  	s10 =	simm.s32 $0x50  }
0x90: {  	[tilespmem:s21], [sflag:$0x3] =	stream.indirect.gather [hbm4b:s18+s16], $0x80, s10, s16, $0xb8;
	[tilespmem:$0x1F300] =	vst v63  }
0x91: {  	s11 =	simm.s32 $0x78  }
0x92: {  	[tilespmem:s22], [sflag:$0x4] =	stream.indirect.gather [hbm4b:s18+s16], $0x80, s11, s16, $0xb8;
	[tilespmem:$0x1F300] =	vst v63  }
0x93: {  	_ =	swait.ge [sflag:s24], $0x1400  }
0x94: {  	[sflag:s24] =	ssyncset.done $0x0  }
0x95: {  	s28 =	simm.s32 $0xA0;
	[sflag:s24] =	ssyncadd.s32 $0xFFFFEC00  }
0x96: {  	[tilespmem:s25], [sflag:$0x5] =	stream.indirect.gather [hbm4b:s18+s16], $0x80, s28, s16, $0xb8;
	[tilespmem:$0x1F300] =	vst v63  }
0x97: {  	s29 =	simm.s32 $0x2780  }
0x98: {  	[spmem:s19] =	stream.indirect.scatter.add.f32 [tilespmem:s12], [sflag:$0x6], $0x80, s29, s16, $0xb8;
	[tilespmem:$0x1F300] =	vst v63  }
0x99: {  	_ =	swait.ge [sflag:s13], $0x1400  }
0x9a: {  	[sflag:s13] =	ssyncset.done $0x0  }
0x9b: {  	[sflag:s13] =	ssyncadd.s32 $0xFFFFEC00  }
0x9c: {  	_ =	swait.ge [sflag:s26], $0x1400  }
0x9d: {  	[sflag:s26] =	ssyncset.done $0x0  }
0x9e: {  	s9 =	simm.s32 $0xC8;
	[sflag:s26] =	ssyncadd.s32 $0xFFFFEC00  }
0x9f: {  	[tilespmem:s12], [sflag:$0x1] =	stream.indirect.gather [hbm4b:s18+s16], $0x80, s9, s16, $0xb8;
	[tilespmem:$0x1F300] =	vst v63  }
0xa0: {  	s11 =	simm.s32 $0x27A8  }
0xa1: {  	[spmem:s19] =	stream.indirect.scatter.add.f32 [tilespmem:s20], [sflag:$0x6], $0x80, s11, s16, $0xb8;
	[tilespmem:$0x1F300] =	vst v63  }
0xa2: {  	_ =	swait.ge [sflag:s13], $0x1400  }
0xa3: {  	[sflag:s13] =	ssyncset.done $0x0  }
0xa4: {  	[sflag:s13] =	ssyncadd.s32 $0xFFFFEC00  }
0xa5: {  	_ =	swait.ge [sflag:s14], $0x1400  }
0xa6: {  	[sflag:s14] =	ssyncset.done $0x0  }
0xa7: {  	s28 =	simm.s32 $0xF0;
	[sflag:s14] =	ssyncadd.s32 $0xFFFFEC00  }
0xa8: {  	[tilespmem:s20], [sflag:$0x2] =	stream.indirect.gather [hbm4b:s18+s16], $0x80, s28, s16, $0xb8;
	[tilespmem:$0x1F300] =	vst v63  }
0xa9: {  	s29 =	simm.s32 $0x27D0  }
0xaa: {  	[spmem:s19] =	stream.indirect.scatter.add.f32 [tilespmem:s21], [sflag:$0x6], $0x80, s29, s16, $0xb8;
	[tilespmem:$0x1F300] =	vst v63  }
0xab: {  	_ =	swait.ge [sflag:s13], $0x1400  }
0xac: {  	[sflag:s13] =	ssyncset.done $0x0  }
0xad: {  	[sflag:s13] =	ssyncadd.s32 $0xFFFFEC00  }
0xae: {  	_ =	swait.ge [sflag:s15], $0x1400  }
0xaf: {  	[sflag:s15] =	ssyncset.done $0x0  }
0xb0: {  	s9 =	simm.s32 $0x118;
	[sflag:s15] =	ssyncadd.s32 $0xFFFFEC00  }
0xb1: {  	[tilespmem:s21], [sflag:$0x3] =	stream.indirect.gather [hbm4b:s18+s16], $0x80, s9, s16, $0xb8;
	[tilespmem:$0x1F300] =	vst v63  }
0xb2: {  	s11 =	simm.s32 $0x27F8  }
0xb3: {  	[spmem:s19] =	stream.indirect.scatter.add.f32 [tilespmem:s22], [sflag:$0x6], $0x80, s11, s16, $0xb8;
	[tilespmem:$0x1F300] =	vst v63  }
0xb4: {  	_ =	swait.ge [sflag:s13], $0x1400  }
0xb5: {  	[sflag:s13] =	ssyncset.done $0x0  }
0xb6: {  	[sflag:s13] =	ssyncadd.s32 $0xFFFFEC00  }
0xb7: {  	_ =	swait.ge [sflag:s8], $0x1400  }
0xb8: {  	[sflag:s8] =	ssyncset.done $0x0  }
0xb9: {  	s28 =	simm.s32 $0x140;
	[sflag:s8] =	ssyncadd.s32 $0xFFFFEC00  }
0xba: {  	[tilespmem:s22], [sflag:$0x4] =	stream.indirect.gather [hbm4b:s18+s16], $0x80, s28, s16, $0xb8;
	[tilespmem:$0x1F300] =	vst v63  }
0xbb: {  	s29 =	simm.s32 $0x2820  }
0xbc: {  	[spmem:s19] =	stream.indirect.scatter.add.f32 [tilespmem:s25], [sflag:$0x6], $0x80, s29, s16, $0xb8;
	[tilespmem:$0x1F300] =	vst v63  }
0xbd: {  	_ =	swait.ge [sflag:s13], $0x1400  }
0xbe: {  	s10 =	simm.s32 $0x320;
	[sflag:s13] =	ssyncset.done $0x0  }
.LBB2_4:
0xbf: {  	p0 =	sne.s32 s10, $0x9600  }
0xc0: {  	[sflag:s13] =	ssyncadd.s32 $0xFFFFEC00;
	s11 =	smov.u32 s10;
	s10 =	sadd.s32 $0x320, s10  }
0xc1: {  	_ = 	snop  }
0xc2: {  	_ =	swait.ge [sflag:s24], $0x1400  }
0xc3: {  	s11 =	sshra.s32 s11, $0x2;
	[sflag:s24] =	ssyncset.done $0x0  }
0xc4: {  	s28 =	sadd.s32 $0xA0, s11;
	[sflag:s24] =	ssyncadd.s32 $0xFFFFEC00  }
0xc5: {  	[tilespmem:s25], [sflag:$0x5] =	stream.indirect.gather [hbm4b:s18+s16], $0x80, s28, s16, $0xb8;
	[tilespmem:$0x1F300] =	vst v63  }
0xc6: {  	s28 =	sadd.s32 $0x2780, s11  }
0xc7: {  	[spmem:s19] =	stream.indirect.scatter.add.f32 [tilespmem:s12], [sflag:$0x6], $0x80, s28, s16, $0xb8;
	[tilespmem:$0x1F300] =	vst v63  }
0xc8: {  	_ =	swait.ge [sflag:s13], $0x1400  }
0xc9: {  	[sflag:s13] =	ssyncset.done $0x0  }
0xca: {  	[sflag:s13] =	ssyncadd.s32 $0xFFFFEC00  }
0xcb: {  	_ =	swait.ge [sflag:s26], $0x1400  }
0xcc: {  	[sflag:s26] =	ssyncset.done $0x0  }
0xcd: {  	s28 =	sadd.s32 $0xC8, s11;
	[sflag:s26] =	ssyncadd.s32 $0xFFFFEC00  }
0xce: {  	[tilespmem:s12], [sflag:$0x1] =	stream.indirect.gather [hbm4b:s18+s16], $0x80, s28, s16, $0xb8;
	[tilespmem:$0x1F300] =	vst v63  }
0xcf: {  	s28 =	sadd.s32 $0x27A8, s11  }
0xd0: {  	[spmem:s19] =	stream.indirect.scatter.add.f32 [tilespmem:s20], [sflag:$0x6], $0x80, s28, s16, $0xb8;
	[tilespmem:$0x1F300] =	vst v63  }
0xd1: {  	_ =	swait.ge [sflag:s13], $0x1400  }
0xd2: {  	[sflag:s13] =	ssyncset.done $0x0  }
0xd3: {  	[sflag:s13] =	ssyncadd.s32 $0xFFFFEC00  }
0xd4: {  	_ =	swait.ge [sflag:s14], $0x1400  }
0xd5: {  	[sflag:s14] =	ssyncset.done $0x0  }
0xd6: {  	s28 =	sadd.s32 $0xF0, s11;
	[sflag:s14] =	ssyncadd.s32 $0xFFFFEC00  }
0xd7: {  	[tilespmem:s20], [sflag:$0x2] =	stream.indirect.gather [hbm4b:s18+s16], $0x80, s28, s16, $0xb8;
	[tilespmem:$0x1F300] =	vst v63  }
0xd8: {  	s28 =	sadd.s32 $0x27D0, s11  }
0xd9: {  	[spmem:s19] =	stream.indirect.scatter.add.f32 [tilespmem:s21], [sflag:$0x6], $0x80, s28, s16, $0xb8;
	[tilespmem:$0x1F300] =	vst v63  }
0xda: {  	_ =	swait.ge [sflag:s13], $0x1400  }
0xdb: {  	[sflag:s13] =	ssyncset.done $0x0  }
0xdc: {  	[sflag:s13] =	ssyncadd.s32 $0xFFFFEC00  }
0xdd: {  	_ =	swait.ge [sflag:s15], $0x1400  }
0xde: {  	[sflag:s15] =	ssyncset.done $0x0  }
0xdf: {  	s28 =	sadd.s32 $0x118, s11;
	[sflag:s15] =	ssyncadd.s32 $0xFFFFEC00  }
0xe0: {  	[tilespmem:s21], [sflag:$0x3] =	stream.indirect.gather [hbm4b:s18+s16], $0x80, s28, s16, $0xb8;
	[tilespmem:$0x1F300] =	vst v63  }
0xe1: {  	s28 =	sadd.s32 $0x27F8, s11  }
0xe2: {  	[spmem:s19] =	stream.indirect.scatter.add.f32 [tilespmem:s22], [sflag:$0x6], $0x80, s28, s16, $0xb8;
	[tilespmem:$0x1F300] =	vst v63  }
0xe3: {  	_ =	swait.ge [sflag:s13], $0x1400  }
0xe4: {  	[sflag:s13] =	ssyncset.done $0x0  }
0xe5: {  	[sflag:s13] =	ssyncadd.s32 $0xFFFFEC00  }
0xe6: {  	_ =	swait.ge [sflag:s8], $0x1400  }
0xe7: {  	[sflag:s8] =	ssyncset.done $0x0  }
0xe8: {  	s28 =	sadd.s32 $0x140, s11;
	[sflag:s8] =	ssyncadd.s32 $0xFFFFEC00  }
0xe9: {  	[tilespmem:s22], [sflag:$0x4] =	stream.indirect.gather [hbm4b:s18+s16], $0x80, s28, s16, $0xb8;
	[tilespmem:$0x1F300] =	vst v63  }
.Ltmp1:
0xea: {  	_ = 	snop;
	(pc) =	sbr.rel @p0 .LBB2_4-.Ltmp1, $4  }
0xeb: {  	s11 =	sadd.s32 $0x2820, s11  }
0xec: {  	[spmem:s19] =	stream.indirect.scatter.add.f32 [tilespmem:s25], [sflag:$0x6], $0x80, s11, s16, $0xb8;
	[tilespmem:$0x1F300] =	vst v63  }
0xed: {  	_ =	swait.ge [sflag:s13], $0x1400  }
0xee: {  	[sflag:s13] =	ssyncset.done $0x0  }
0xef: {  	[sflag:s13] =	ssyncadd.s32 $0xFFFFEC00  }
0xf0: {  	_ =	swait.ge [sflag:s24], $0x1400  }
0xf1: {  	[sflag:s24] =	ssyncset.done $0x0  }
0xf2: {  	s9 =	simm.s32 $0x26E8;
	[sflag:s24] =	ssyncadd.s32 $0xFFFFEC00  }
0xf3: {  	[tilespmem:s25], [sflag:$0x5] =	stream.indirect.gather [hbm4b:s18+s16], $0x80, s9, s16, $0xb8;
	[tilespmem:$0x1F300] =	vst v63  }
0xf4: {  	s11 =	simm.s32 $0x4DC8  }
0xf5: {  	[spmem:s19] =	stream.indirect.scatter.add.f32 [tilespmem:s12], [sflag:$0x6], $0x80, s11, s16, $0xb8;
	[tilespmem:$0x1F300] =	vst v63  }
0xf6: {  	_ =	swait.ge [sflag:s13], $0x1400  }
0xf7: {  	[sflag:s13] =	ssyncset.done $0x0  }
0xf8: {  	[sflag:s13] =	ssyncadd.s32 $0xFFFFEC00  }
0xf9: {  	_ =	swait.ge [sflag:s26], $0x1400  }
0xfa: {  	[sflag:s26] =	ssyncset.done $0x0  }
0xfb: {  	[sflag:s26] =	ssyncadd.s32 $0xFFFFEC00  }
0xfc: {  	[tilespmem:s12], [sflag:$0x1] =	stream.indirect.gather [hbm4b:s18+s16], $0x80, s1, s16, $0xb8;
	[tilespmem:$0x1F300] =	vst v63  }
0xfd: {  	s29 =	simm.s32 $0x4DF0  }
0xfe: {  	[spmem:s19] =	stream.indirect.scatter.add.f32 [tilespmem:s20], [sflag:$0x6], $0x80, s29, s16, $0xb8;
	[tilespmem:$0x1F300] =	vst v63  }
0xff: {  	_ =	swait.ge [sflag:s13], $0x1400  }
0x100: {  	[sflag:s13] =	ssyncset.done $0x0  }
0x101: {  	[sflag:s13] =	ssyncadd.s32 $0xFFFFEC00  }
0x102: {  	_ =	swait.ge [sflag:s14], $0x1400  }
0x103: {  	[sflag:s14] =	ssyncset.done $0x0  }
0x104: {  	[sflag:s14] =	ssyncadd.s32 $0xFFFFEC00  }
0x105: {  	[tilespmem:s20], [sflag:$0x2] =	stream.indirect.gather [hbm4b:s18+s16], $0x80, s1, s16, $0xb8;
	[tilespmem:$0x1F300] =	vst v63  }
0x106: {  	s10 =	simm.s32 $0x4E18  }
0x107: {  	[spmem:s19] =	stream.indirect.scatter.add.f32 [tilespmem:s21], [sflag:$0x6], $0x80, s10, s16, $0xb8;
	[tilespmem:$0x1F300] =	vst v63  }
0x108: {  	_ =	swait.ge [sflag:s13], $0x1400  }
0x109: {  	[sflag:s13] =	ssyncset.done $0x0  }
0x10a: {  	[sflag:s13] =	ssyncadd.s32 $0xFFFFEC00  }
0x10b: {  	_ =	swait.ge [sflag:s15], $0x1400  }
0x10c: {  	[sflag:s15] =	ssyncset.done $0x0  }
0x10d: {  	[sflag:s15] =	ssyncadd.s32 $0xFFFFEC00  }
0x10e: {  	[tilespmem:s21], [sflag:$0x3] =	stream.indirect.gather [hbm4b:s18+s16], $0x80, s1, s16, $0xb8;
	[tilespmem:$0x1F300] =	vst v63  }
0x10f: {  	s11 =	simm.s32 $0x4E40  }
0x110: {  	[spmem:s19] =	stream.indirect.scatter.add.f32 [tilespmem:s22], [sflag:$0x6], $0x80, s11, s16, $0xb8;
	[tilespmem:$0x1F300] =	vst v63  }
0x111: {  	_ =	swait.ge [sflag:s13], $0x1400  }
0x112: {  	[sflag:s13] =	ssyncset.done $0x0  }
0x113: {  	[sflag:s13] =	ssyncadd.s32 $0xFFFFEC00  }
0x114: {  	_ =	swait.ge [sflag:s8], $0x1400  }
0x115: {  	[sflag:s8] =	ssyncset.done $0x0  }
0x116: {  	[sflag:s8] =	ssyncadd.s32 $0xFFFFEC00  }
0x117: {  	[tilespmem:s22], [sflag:$0x4] =	stream.indirect.gather [hbm4b:s18+s16], $0x80, s1, s16, $0xb8;
	[tilespmem:$0x1F300] =	vst v63  }
0x118: {  	s29 =	simm.s32 $0x4E68  }
0x119: {  	[spmem:s19] =	stream.indirect.scatter.add.f32 [tilespmem:s25], [sflag:$0x6], $0x80, s29, s16, $0xb8;
	[tilespmem:$0x1F300] =	vst v63  }
0x11a: {  	_ =	swait.ge [sflag:s13], $0x1400  }
0x11b: {  	[sflag:s13] =	ssyncset.done $0x0  }
0x11c: {  	[sflag:s13] =	ssyncadd.s32 $0xFFFFEC00  }
0x11d: {  	_ =	swait.ge [sflag:s24], $0x1400  }
0x11e: {  	[sflag:s24] =	ssyncset.done $0x0  }
0x11f: {  	[sflag:s24] =	ssyncadd.s32 $0xFFFFEC00  }
0x120: {  	_ =	swait.ge [sflag:s26], $0x1400  }
0x121: {  	[sflag:s26] =	ssyncset.done $0x0  }
0x122: {  	[sflag:s26] =	ssyncadd.s32 $0xFFFFEC00  }
0x123: {  	_ =	swait.ge [sflag:s14], $0x1400  }
0x124: {  	[sflag:s14] =	ssyncset.done $0x0  }
0x125: {  	[sflag:s14] =	ssyncadd.s32 $0xFFFFEC00  }
0x126: {  	_ =	swait.ge [sflag:s15], $0x1400  }
0x127: {  	[sflag:s15] =	ssyncset.done $0x0  }
0x128: {  	[sflag:s15] =	ssyncadd.s32 $0xFFFFEC00  }
0x129: {  	[bflag:$0x0] =	sbarrier.arrive $0xFFFF  }
0x12a: {  	s10 =	rddreg [dreg:$0x1a]  }
0x12b: {  	[tilespmem:s12], [sflag:$0x6] =	stream.linear.gather [spmem:s10], $0x1400, $0x38;
	[tilespmem:$0x1F300] =	vst v63  }
0x12c: {  	_ =	swait.ge [sflag:s13], $0x1400  }
0x12d: {  	[sflag:s13] =	ssyncset.done $0x0  }
0x12e: {  	s9 =	rddreg [dreg:$0x6];
	[sflag:s13] =	ssyncadd.s32 $0xFFFFEC00  }
0x12f: {  	[hbm4b:s9+s1] =	stream.linear.scatter [tilespmem:s12], [sflag:$0x1], $0x1400, $0x38;
	[tilespmem:$0x1F300] =	vst v63  }
0x130: {  	s11 =	rddreg [dreg:$0x17]  }
0x131: {  	[tilespmem:s20], [sflag:$0x6] =	stream.linear.gather [spmem:s11], $0x1400, $0x38;
	[tilespmem:$0x1F300] =	vst v63  }
0x132: {  	_ =	swait.ge [sflag:s13], $0x1400  }
0x133: {  	[sflag:s13] =	ssyncset.done $0x0  }
0x134: {  	s29 =	rddreg [dreg:$0x7];
	[sflag:s13] =	ssyncadd.s32 $0xFFFFEC00  }
0x135: {  	[hbm4b:s29+s1] =	stream.linear.scatter [tilespmem:s20], [sflag:$0x2], $0x1400, $0x38;
	[tilespmem:$0x1F300] =	vst v63  }
0x136: {  	s9 =	rddreg [dreg:$0x18]  }
0x137: {  	[tilespmem:s21], [sflag:$0x6] =	stream.linear.gather [spmem:s9], $0x1400, $0x38;
	[tilespmem:$0x1F300] =	vst v63  }
0x138: {  	_ =	swait.ge [sflag:s13], $0x1400  }
0x139: {  	[sflag:s13] =	ssyncset.done $0x0  }
0x13a: {  	s11 =	rddreg [dreg:$0x8];
	[sflag:s13] =	ssyncadd.s32 $0xFFFFEC00  }
0x13b: {  	[hbm4b:s11+s1] =	stream.linear.scatter [tilespmem:s21], [sflag:$0x3], $0x1400, $0x38;
	[tilespmem:$0x1F300] =	vst v63  }
0x13c: {  	s29 =	rddreg [dreg:$0x19]  }
0x13d: {  	[tilespmem:s22], [sflag:$0x6] =	stream.linear.gather [spmem:s29], $0x1400, $0x38;
	[tilespmem:$0x1F300] =	vst v63  }
0x13e: {  	_ =	swait.ge [sflag:s13], $0x1400  }
0x13f: {  	[sflag:s13] =	ssyncset.done $0x0  }
0x140: {  	s9 =	rddreg [dreg:$0x9];
	[sflag:s13] =	ssyncadd.s32 $0xFFFFEC00  }
0x141: {  	[hbm4b:s9+s1] =	stream.linear.scatter [tilespmem:s22], [sflag:$0x4], $0x1400, $0x38;
	[tilespmem:$0x1F300] =	vst v63  }
0x142: {  	s28 =	rddreg [dreg:$0x1f]  }
0x143: {  	[tilespmem:s25], [sflag:$0x6] =	stream.linear.gather [spmem:s28], $0x1400, $0x38;
	[tilespmem:$0x1F300] =	vst v63  }
0x144: {  	_ =	swait.ge [sflag:s13], $0x1400  }
0x145: {  	[sflag:s13] =	ssyncset.done $0x0  }
0x146: {  	s11 =	rddreg [dreg:$0xa];
	[sflag:s13] =	ssyncadd.s32 $0xFFFFEC00  }
0x147: {  	[hbm4b:s11+s1] =	stream.linear.scatter [tilespmem:s25], [sflag:$0x5], $0x1400, $0x38;
	[tilespmem:$0x1F300] =	vst v63  }
0x148: {  	_ =	swait.ge [sflag:s24], $0x1400  }
0x149: {  	[sflag:s24] =	ssyncset.done $0x0  }
0x14a: {  	[sflag:s24] =	ssyncadd.s32 $0xFFFFEC00  }
0x14b: {  	[tilespmem:s12], [sflag:$0x6] =	stream.linear.gather [spmem:s30], $0x1400, $0x38;
	[tilespmem:$0x1F300] =	vst v63  }
0x14c: {  	_ =	swait.ge [sflag:s13], $0x1400  }
0x14d: {  	[sflag:s13] =	ssyncset.done $0x0  }
0x14e: {  	s29 =	rddreg [dreg:$0xb];
	[sflag:s13] =	ssyncadd.s32 $0xFFFFEC00  }
0x14f: {  	[hbm4b:s29+s1] =	stream.linear.scatter [tilespmem:s12], [sflag:$0x1], $0x1400, $0x38;
	[tilespmem:$0x1F300] =	vst v63  }
0x150: {  	_ =	swait.ge [sflag:s26], $0x1400  }
0x151: {  	[sflag:s26] =	ssyncset.done $0x0  }
0x152: {  	[sflag:s26] =	ssyncadd.s32 $0xFFFFEC00  }
0x153: {  	[tilespmem:s20], [sflag:$0x6] =	stream.linear.gather [spmem:s31], $0x1400, $0x38;
	[tilespmem:$0x1F300] =	vst v63  }
0x154: {  	_ =	swait.ge [sflag:s13], $0x1400  }
0x155: {  	[sflag:s13] =	ssyncset.done $0x0  }
0x156: {  	s9 =	rddreg [dreg:$0xc];
	[sflag:s13] =	ssyncadd.s32 $0xFFFFEC00  }
0x157: {  	[hbm4b:s9+s1] =	stream.linear.scatter [tilespmem:s20], [sflag:$0x2], $0x1400, $0x38;
	[tilespmem:$0x1F300] =	vst v63  }
0x158: {  	_ =	swait.ge [sflag:s14], $0x1400  }
0x159: {  	[sflag:s14] =	ssyncset.done $0x0  }
0x15a: {  	[sflag:s14] =	ssyncadd.s32 $0xFFFFEC00  }
0x15b: {  	[tilespmem:s21], [sflag:$0x6] =	stream.linear.gather [spmem:s17], $0x1400, $0x38;
	[tilespmem:$0x1F300] =	vst v63  }
0x15c: {  	_ =	swait.ge [sflag:s13], $0x1400  }
0x15d: {  	[sflag:s13] =	ssyncset.done $0x0  }
0x15e: {  	s11 =	rddreg [dreg:$0xd];
	[sflag:s13] =	ssyncadd.s32 $0xFFFFEC00  }
0x15f: {  	[hbm4b:s11+s1] =	stream.linear.scatter [tilespmem:s21], [sflag:$0x3], $0x1400, $0x38;
	[tilespmem:$0x1F300] =	vst v63  }
0x160: {  	_ =	swait.ge [sflag:s15], $0x1400  }
0x161: {  	[sflag:s15] =	ssyncset.done $0x0  }
0x162: {  	[sflag:s15] =	ssyncadd.s32 $0xFFFFEC00  }
0x163: {  	[tilespmem:s22], [sflag:$0x6] =	stream.linear.gather [spmem:s0], $0x1400, $0x38;
	[tilespmem:$0x1F300] =	vst v63  }
0x164: {  	_ =	swait.ge [sflag:s13], $0x1400  }
0x165: {  	[sflag:s13] =	ssyncset.done $0x0  }
0x166: {  	s29 =	rddreg [dreg:$0xe];
	[sflag:s13] =	ssyncadd.s32 $0xFFFFEC00  }
0x167: {  	[hbm4b:s29+s1] =	stream.linear.scatter [tilespmem:s22], [sflag:$0x4], $0x1400, $0x38;
	[tilespmem:$0x1F300] =	vst v63  }
0x168: {  	_ =	swait.ge [sflag:s8], $0x1400  }
0x169: {  	[sflag:s8] =	ssyncset.done $0x0  }
0x16a: {  	[sflag:s8] =	ssyncadd.s32 $0xFFFFEC00  }
0x16b: {  	[tilespmem:s25], [sflag:$0x6] =	stream.linear.gather [spmem:s2], $0x1400, $0x38;
	[tilespmem:$0x1F300] =	vst v63  }
0x16c: {  	_ =	swait.ge [sflag:s13], $0x1400  }
0x16d: {  	[sflag:s13] =	ssyncset.done $0x0  }
0x16e: {  	s9 =	rddreg [dreg:$0xf];
	[sflag:s13] =	ssyncadd.s32 $0xFFFFEC00  }
0x16f: {  	[hbm4b:s9+s1] =	stream.linear.scatter [tilespmem:s25], [sflag:$0x5], $0x1400, $0x38;
	[tilespmem:$0x1F300] =	vst v63  }
0x170: {  	_ =	swait.ge [sflag:s24], $0x1400  }
0x171: {  	[sflag:s24] =	ssyncset.done $0x0  }
0x172: {  	[sflag:s24] =	ssyncadd.s32 $0xFFFFEC00  }
0x173: {  	[tilespmem:s12], [sflag:$0x6] =	stream.linear.gather [spmem:s3], $0x1400, $0x38;
	[tilespmem:$0x1F300] =	vst v63  }
0x174: {  	_ =	swait.ge [sflag:s13], $0x1400  }
0x175: {  	[sflag:s13] =	ssyncset.done $0x0  }
0x176: {  	s11 =	rddreg [dreg:$0x10];
	[sflag:s13] =	ssyncadd.s32 $0xFFFFEC00  }
0x177: {  	[hbm4b:s11+s1] =	stream.linear.scatter [tilespmem:s12], [sflag:$0x1], $0x1400, $0x38;
	[tilespmem:$0x1F300] =	vst v63  }
0x178: {  	_ =	swait.ge [sflag:s26], $0x1400  }
0x179: {  	[sflag:s26] =	ssyncset.done $0x0  }
0x17a: {  	[sflag:s26] =	ssyncadd.s32 $0xFFFFEC00  }
0x17b: {  	[tilespmem:s20], [sflag:$0x6] =	stream.linear.gather [spmem:s4], $0x1400, $0x38;
	[tilespmem:$0x1F300] =	vst v63  }
0x17c: {  	_ =	swait.ge [sflag:s13], $0x1400  }
0x17d: {  	[sflag:s13] =	ssyncset.done $0x0  }
0x17e: {  	s29 =	rddreg [dreg:$0x11];
	[sflag:s13] =	ssyncadd.s32 $0xFFFFEC00  }
0x17f: {  	[hbm4b:s29+s1] =	stream.linear.scatter [tilespmem:s20], [sflag:$0x2], $0x1400, $0x38;
	[tilespmem:$0x1F300] =	vst v63  }
0x180: {  	_ =	swait.ge [sflag:s14], $0x1400  }
0x181: {  	[sflag:s14] =	ssyncset.done $0x0  }
0x182: {  	[sflag:s14] =	ssyncadd.s32 $0xFFFFEC00  }
0x183: {  	[tilespmem:s21], [sflag:$0x6] =	stream.linear.gather [spmem:s5], $0x1400, $0x38;
	[tilespmem:$0x1F300] =	vst v63  }
0x184: {  	_ =	swait.ge [sflag:s13], $0x1400  }
0x185: {  	[sflag:s13] =	ssyncset.done $0x0  }
0x186: {  	s9 =	rddreg [dreg:$0x12];
	[sflag:s13] =	ssyncadd.s32 $0xFFFFEC00  }
0x187: {  	[hbm4b:s9+s1] =	stream.linear.scatter [tilespmem:s21], [sflag:$0x3], $0x1400, $0x38;
	[tilespmem:$0x1F300] =	vst v63  }
0x188: {  	_ =	swait.ge [sflag:s15], $0x1400  }
0x189: {  	[sflag:s15] =	ssyncset.done $0x0  }
0x18a: {  	[sflag:s15] =	ssyncadd.s32 $0xFFFFEC00  }
0x18b: {  	[tilespmem:s22], [sflag:$0x6] =	stream.linear.gather [spmem:s6], $0x1400, $0x38;
	[tilespmem:$0x1F300] =	vst v63  }
0x18c: {  	_ =	swait.ge [sflag:s13], $0x1400  }
0x18d: {  	[sflag:s13] =	ssyncset.done $0x0  }
0x18e: {  	s11 =	rddreg [dreg:$0x13];
	[sflag:s13] =	ssyncadd.s32 $0xFFFFEC00  }
0x18f: {  	[hbm4b:s11+s1] =	stream.linear.scatter [tilespmem:s22], [sflag:$0x4], $0x1400, $0x38;
	[tilespmem:$0x1F300] =	vst v63  }
0x190: {  	_ =	swait.ge [sflag:s8], $0x1400  }
0x191: {  	[sflag:s8] =	ssyncset.done $0x0  }
0x192: {  	[sflag:s8] =	ssyncadd.s32 $0xFFFFEC00  }
0x193: {  	[tilespmem:s25], [sflag:$0x6] =	stream.linear.gather [spmem:s7], $0x1400, $0x38;
	[tilespmem:$0x1F300] =	vst v63  }
0x194: {  	_ =	swait.ge [sflag:s13], $0x1400  }
0x195: {  	[sflag:s13] =	ssyncset.done $0x0  }
0x196: {  	s29 =	rddreg [dreg:$0x14];
	[sflag:s13] =	ssyncadd.s32 $0xFFFFEC00  }
0x197: {  	[hbm4b:s29+s1] =	stream.linear.scatter [tilespmem:s25], [sflag:$0x5], $0x1400, $0x38;
	[tilespmem:$0x1F300] =	vst v63  }
0x198: {  	_ =	swait.ge [sflag:s24], $0x1400  }
0x199: {  	[sflag:s24] =	ssyncset.done $0x0  }
0x19a: {  	[sflag:s24] =	ssyncadd.s32 $0xFFFFEC00  }
0x19b: {  	[tilespmem:s12], [sflag:$0x6] =	stream.linear.gather [spmem:s23], $0x1400, $0x38;
	[tilespmem:$0x1F300] =	vst v63  }
0x19c: {  	_ =	swait.ge [sflag:s13], $0x1400  }
0x19d: {  	[sflag:s13] =	ssyncset.done $0x0  }
0x19e: {  	s9 =	rddreg [dreg:$0x15];
	[sflag:s13] =	ssyncadd.s32 $0xFFFFEC00  }
0x19f: {  	[hbm4b:s9+s1] =	stream.linear.scatter [tilespmem:s12], [sflag:$0x1], $0x1400, $0x38;
	[tilespmem:$0x1F300] =	vst v63  }
0x1a0: {  	_ =	swait.ge [sflag:s24], $0x1400  }
0x1a1: {  	[sflag:s24] =	ssyncset.done $0x0  }
0x1a2: {  	[sflag:s24] =	ssyncadd.s32 $0xFFFFEC00  }
0x1a3: {  	_ =	swait.ge [sflag:s26], $0x1400  }
0x1a4: {  	[sflag:s26] =	ssyncset.done $0x0  }
0x1a5: {  	[sflag:s26] =	ssyncadd.s32 $0xFFFFEC00  }
0x1a6: {  	_ =	swait.ge [sflag:s14], $0x1400  }
0x1a7: {  	[sflag:s14] =	ssyncset.done $0x0  }
0x1a8: {  	[sflag:s14] =	ssyncadd.s32 $0xFFFFEC00  }
0x1a9: {  	_ =	swait.ge [sflag:s15], $0x1400  }
0x1aa: {  	[sflag:s15] =	ssyncset.done $0x0  }
0x1ab: {  	[sflag:s15] =	ssyncadd.s32 $0xFFFFEC00  }
0x1ac: {  	_ =	swait.ge [sflag:s8], $0x1400  }
0x1ad: {  	s11 =	sld [smem:$0x7FD];
	_ =	sdelay $0x2  }
0x1ae: {  	s29 =	rddreg [dreg:$0x1b];
	s10 =	sadd.s32 $0x1, s11  }
0x1af: {  	p0 =	sne.s32 s10, s29  }
.Ltmp2:
0x1b0: {  	_ = 	snop;
	(pc) =	sbr.rel @p0 .LBB2_1-.Ltmp2, $3  }
0x1b1: {  	_ =	sdelay $0x1  }
0x1b2: {  	[sflag:s8] =	ssyncset.done $0x0  }
0x1b3: {  	[sflag:s8] =	ssyncadd.s32 $0xFFFFEC00  }
0x1b4: {  	_ =	sfence.sel $0x180000  }
0x1b5: {  	[bflag:$0x0] =	sbarrier.arrive $0xFFFF  }
0x1b6: {  	_ =	strace $0x90000047  }
0x1b7: {  	s0 =	stileid.u32;
	[bflag:$0x2] =	sbarrier.arrive $0xFFFF  }
0x1b8: {  	p0 =	sne.s32 s0, $0x0;
	s0 =	rddreg [dreg:$0x4]  }
0x1b9: {  	s0 =	sadd.s32 @!p0 $0x100000, s0  }
0x1ba: {  	[sflag:s0] =	ssyncadd.tile.s32 @!p0 $0x1;
	_ =	shalt  }
.Lfunc_end2:
_tile_overlayer_lowered:
.L_overlay_start_2:
0x1bb: {  	(tag) =	ssettag $0x2  }
0x1bc: {  	s0 =	rddreg [dreg:$0x0];
	s2 =	stileid.u32  }
0x1bd: {  	s1 =	rddreg [dreg:$0x1];
	p0 =	sne.s32 s2, $0x0  }
0x1be: {  	s3 =	rddreg [dreg:$0x2];
	[bflag:$0x3] =	sbarrier.arrive $0xFFFF;
	s2 =	simm.s32 @!p0 $0x1C06  }
0x1bf: {  	[timem:s3], [sflag:s2] =	dma.local @!p0 [hbm:s0], s1  }
0x1c0: {  	s0 =	simm.s32 @!p0 $0x6  }
0x1c1: {  	_ =	swait.ge @!p0 [sflag:s0], s1  }
0x1c2: {  	s1 =	ssub.s32 @!p0 $0x0, s1;
	[sflag:s0] =	ssyncset.done @!p0 $0x0  }
0x1c3: {  	[sflag:s0] =	ssyncadd.s32 @!p0 s1  }
0x1c4: {  	[bflag:$0x3] =	sbarrier.arrive $0xFFFF  }
0x1c5: {  	_ =	shalt  }

</sc_bundles>
